<compile_context>
chip_gen: v7x
topology: tpu7x:2x2x1
jax: 0.10.2.dev20260603
libtpu: 0.0.44.dev20260713+nightly
codegen_flags: <defaults>
</compile_context>

<pallas_src>
import functools

import jax
import jax.numpy as jnp
from jax import lax
from jax.experimental import pallas as pl
from jax.experimental.pallas import tpu as pltpu
from jax.experimental.pallas import tpu_sc as plsc

_CHUNK = 32
_NBUF = 3
_LANES = 16


@functools.cache
def _make_gather(B, D, V):
    info = plsc.get_sparse_core_info()
    NC, NS = info.num_cores, info.num_subcores
    NW = NC * NS
    b_per_w = B // NW
    n_chunks = b_per_w // _CHUNK
    n_groups = n_chunks // _NBUF
    rem = n_chunks - n_groups * _NBUF
    mesh = plsc.VectorSubcoreMesh(core_axis_name="c", subcore_axis_name="s")

    @functools.partial(
        pl.kernel,
        mesh=mesh,
        out_type=jax.ShapeDtypeStruct((B, D), jnp.float32),
        scratch_types=[
            pltpu.VMEM((b_per_w,), jnp.int32),
            pltpu.VMEM((_NBUF, _CHUNK, D), jnp.float32),
        ]
        + [pltpu.SemaphoreType.DMA] * (2 * _NBUF),
    )
    def k(ids_hbm, table_hbm, out_hbm, idx_v, rows_v, *sems):
        gsems, ssems = sems[:_NBUF], sems[_NBUF:]
        wid = lax.axis_index("s") * NC + lax.axis_index("c")
        base = wid * b_per_w
        pltpu.sync_copy(ids_hbm.at[pl.ds(base, b_per_w)], idx_v)

        def clamp_body(i, carry):
            off = pl.multiple_of(i * _LANES, _LANES)
            v = idx_v[pl.ds(off, _LANES)]
            idx_v[pl.ds(off, _LANES)] = jnp.minimum(jnp.maximum(v, 0), V - 1)
            return carry

        lax.fori_loop(0, b_per_w // _LANES, clamp_body, 0)

        def g_start(c, b):
            off = pl.multiple_of(c * _CHUNK, _CHUNK)
            pltpu.async_copy(
                table_hbm.at[idx_v.at[pl.ds(off, _CHUNK)]], rows_v.at[b], gsems[b]
            )

        def g_wait(b):
            pltpu.make_async_copy(
                table_hbm.at[idx_v.at[pl.ds(0, _CHUNK)]], rows_v.at[b], gsems[b]
            ).wait()

        def s_start(c, b):
            off = pl.multiple_of(c * _CHUNK, _CHUNK)
            pltpu.async_copy(
                rows_v.at[b], out_hbm.at[pl.ds(base + off, _CHUNK)], ssems[b]
            )

        def s_wait(b):
            pltpu.make_async_copy(
                rows_v.at[b], out_hbm.at[pl.ds(base, _CHUNK)], ssems[b]
            ).wait()

        for b in range(_NBUF):
            g_start(b, b)

        def body(p, carry):
            c0 = p * _NBUF
            for b in range(_NBUF):
                g_wait(b)
                s_start(c0 + b, b)
            for b in range(_NBUF):
                s_wait(b)
                g_start(c0 + _NBUF + b, b)
            return carry

        lax.fori_loop(0, n_groups - 1, body, 0)

        c0 = (n_groups - 1) * _NBUF
        for b in range(_NBUF):
            g_wait(b)
            s_start(c0 + b, b)
        for b in range(rem):
            s_wait(b)
            g_start(c0 + _NBUF + b, b)
        for b in range(rem):
            g_wait(b)
            s_start(c0 + _NBUF + b, b)
        for b in range(rem, _NBUF):
            s_wait(b)
        for b in range(rem):
            s_wait(b)

    return k


def kernel(input_ids, table):
    bsz, seq = input_ids.shape
    V, D = table.shape
    ids_flat = input_ids.reshape(bsz * seq)
    out = _make_gather(bsz * seq, D, V)(ids_flat, table)
    return out.reshape(bsz, seq, D)

# --- scband reference (transcript-rebuilt; emitter-appended) ---
"""Pipeline reference for scband-random-text-encoder-89507118449337 (READ-ONLY COPY).

The authoritative reference and input builder live on the scoring server;
editing this copy changes nothing except your own understanding.
"""

import jax, jax.numpy as jnp
import numpy as np

VOCAB = 30522
PROJ_DIM = 1024
BATCH = 4096
SEQ = 32

def setup_inputs(seed: int = 0) -> dict:
    key = jax.random.key(seed)
    k_ids, k_tab = jax.random.split(key)
    input_ids = jax.random.randint(k_ids, (BATCH, SEQ), 0, VOCAB, dtype=jnp.int32)
    # Frozen random embedding table, init normal(0, 0.02) as in the torch module
    table = jax.random.normal(k_tab, (VOCAB, PROJ_DIM), dtype=jnp.float32) * 0.02
    return {"input_ids": input_ids, "table": table}

def reference(input_ids, table):
    # torch: input_ids = enc['input_ids'].clamp(0, num_embeddings - 1); embed(input_ids)
    ids = jnp.clip(input_ids, 0, table.shape[0] - 1)
    return jnp.take(table, ids, axis=0)

if __name__ == "__main__":
    import jax
    _d = setup_inputs()
    print(jax.jit(kernel)(*tuple(_d.values())))

</pallas_src>

<mosaic_0001>
#map = affine_map<(d0, d1) -> (0)>
#map1 = affine_map<(d0, d1) -> (0, 0)>
module attributes {stable_mosaic.version = 14 : i64} {
  func.func @k(%arg0: i32, %arg1: i32, %arg2: memref<131072xi32, #tpu.memory_space<hbm>>, %arg3: memref<30522x1024xf32, #tpu.memory_space<hbm>>, %arg4: memref<131072x1024xf32, #tpu.memory_space<hbm>>, %arg5: memref<4096xi32, #tpu.memory_space<vmem>>, %arg6: memref<3x32x1024xf32, #tpu.memory_space<vmem>>, %arg7: memref<!tpu.dma_semaphore, #tpu.memory_space<semaphore_mem>>, %arg8: memref<!tpu.dma_semaphore, #tpu.memory_space<semaphore_mem>>, %arg9: memref<!tpu.dma_semaphore, #tpu.memory_space<semaphore_mem>>, %arg10: memref<!tpu.dma_semaphore, #tpu.memory_space<semaphore_mem>>, %arg11: memref<!tpu.dma_semaphore, #tpu.memory_space<semaphore_mem>>, %arg12: memref<!tpu.dma_semaphore, #tpu.memory_space<semaphore_mem>>) attributes {dimension_semantics = [#tpu.dimension_semantics<core_parallel>, #tpu.dimension_semantics<subcore_parallel>], iteration_bounds = array<i64: 2, 16>, scalar_prefetch = 0 : i64, scratch_operands = 8 : i64, tpu.core_type = #tpu.core_type<sc_vector_subcore>, window_params = [{transform_indices = #map}, {transform_indices = #map1}, {transform_indices = #map1}]} {
    %mul3A = arith.constant 2 : i32
    %mul3A_0 = arith.muli %arg1, %mul3A : i32
    %add3A = arith.addi %mul3A_0, %arg0 : i32
    %mul3A_1 = arith.constant 4096 : i32
    %mul3A_2 = arith.muli %add3A, %mul3A_1 : i32
    "tpu.region"() ({
      %run_scoped3A = tpu.sem_alloc : memref<!tpu.dma_semaphore, #tpu.memory_space<semaphore_mem>>
      %dma_start3A_261 = tpu.memref_slice %arg2[%mul3A_2] : memref<131072xi32, #tpu.memory_space<hbm>> -> memref<4096xi32, #tpu.memory_space<hbm>>
      %dma_start3A_262 = tpu.memref_slice %arg2[%mul3A_2] : memref<131072xi32, #tpu.memory_space<hbm>> -> memref<4096xi32, #tpu.memory_space<hbm>>
      tpu.enqueue_dma source(%dma_start3A_262 : memref<4096xi32, #tpu.memory_space<hbm>>) target(%arg5 : memref<4096xi32, #tpu.memory_space<vmem>>) target_semaphore(%run_scoped3A : memref<!tpu.dma_semaphore, #tpu.memory_space<semaphore_mem>>)
      %dma_wait3A_263 = tpu.memref_slice %arg2[%mul3A_2] : memref<131072xi32, #tpu.memory_space<hbm>> -> memref<4096xi32, #tpu.memory_space<hbm>>
      %dma_wait3A_264 = tpu.memref_slice %arg2[%mul3A_2] : memref<131072xi32, #tpu.memory_space<hbm>> -> memref<4096xi32, #tpu.memory_space<hbm>>
      tpu.wait_dma2 semaphore(%run_scoped3A : memref<!tpu.dma_semaphore, #tpu.memory_space<semaphore_mem>>) src(%dma_wait3A_264 : memref<4096xi32, #tpu.memory_space<hbm>>) dst(%arg5 : memref<4096xi32, #tpu.memory_space<vmem>>)
      tpu.yield
    }) : () -> ()
    %scan3A = arith.constant 0 : i32
    %scan3A_3 = arith.constant 0 : i32
    %scan3A_4 = arith.constant 256 : i32
    %scan3A_5 = arith.addi %scan3A_3, %scan3A_4 : i32
    %scan3A_6 = arith.constant 1 : i32
    scf.for %scan3A_261 = %scan3A_3 to %scan3A_5 step %scan3A_6  : i32 {
      %mul3A_262 = arith.constant 16 : i32
      %mul3A_263 = arith.muli %scan3A_261, %mul3A_262 : i32
      %multiple_of3A_264 = tpu.assume_multiple %mul3A_263, 16 : i32
      %get3A = arith.index_cast %multiple_of3A_264 : i32 to index
      %get3A_265 = tpu.vector_load %arg5[%get3A] {strides = array<i32>} : memref<4096xi32, #tpu.memory_space<vmem>>, vector<16xi32>,
      %get3A_266 = vector.shape_cast %get3A_265 : vector<16xi32> to vector<16xi32>
      %max3A = arith.constant 0 : i32
      %max3A_267 = vector.broadcast %max3A : i32 to vector<16xi32>
      %max3A_268 = arith.maxsi %get3A_266, %max3A_267 : vector<16xi32>
      %min3A = arith.constant 30521 : i32
      %min3A_269 = vector.broadcast %min3A : i32 to vector<16xi32>
      %min3A_270 = arith.minsi %max3A_268, %min3A_269 : vector<16xi32>
      %swap3A = arith.index_cast %multiple_of3A_264 : i32 to index
      %swap3A_271 = tpu.vector_load %arg5[%swap3A] {strides = array<i32>} : memref<4096xi32, #tpu.memory_space<vmem>>, vector<16xi32>,
      %swap3A_272 = vector.shape_cast %swap3A_271 : vector<16xi32> to vector<16xi32>
      %swap3A_273 = vector.shape_cast %min3A_270 : vector<16xi32> to vector<16xi32>
      tpu.vector_store %arg5[%swap3A], %swap3A_273 {strides = array<i32>} : memref<4096xi32, #tpu.memory_space<vmem>>, vector<16xi32>,
    }
    %scan3A_7 = arith.constant 256 : i32
    %multiple_of3A = arith.constant 0 : i32
    %multiple_of3A_8 = tpu.assume_multiple %multiple_of3A, 32 : i32
    %dma_start3A = arith.constant 0 : i32
    %dma_start3A_9 = arith.constant 0 : i32
    %dma_start3A_10 = arith.constant 0 : i32
    %dma_start3A_11 = tpu.memref_slice %arg6[%dma_start3A, %dma_start3A_9, %dma_start3A_10] : memref<3x32x1024xf32, #tpu.memory_space<vmem>> -> memref<1x32x1024xf32, #tpu.memory_space<vmem>>
    %dma_start3A_12 = tpu.memref_squeeze %dma_start3A_11 : memref<1x32x1024xf32, #tpu.memory_space<vmem>> -> memref<32x1024xf32, #tpu.memory_space<vmem>>
    %dma_start3A_13 = tpu.memref_slice %arg5[%multiple_of3A_8] : memref<4096xi32, #tpu.memory_space<vmem>> -> memref<32xi32, #tpu.memory_space<vmem>>
    %dma_start3A_14 = arith.constant 0 : i32
    %dma_start3A_15 = arith.constant 0 : i32
    %dma_start3A_16 = tpu.memref_slice %arg3[%dma_start3A_14, %dma_start3A_15] : memref<30522x1024xf32, #tpu.memory_space<hbm>> -> memref<30522x1024xf32, #tpu.memory_space<hbm>>
    tpu.enqueue_indirect_dma source(%dma_start3A_16 : memref<30522x1024xf32, #tpu.memory_space<hbm>>) target(%dma_start3A_12 : memref<32x1024xf32, #tpu.memory_space<vmem>>) offsets(%dma_start3A_13 : memref<32xi32, #tpu.memory_space<vmem>>) semaphore(%arg7 : memref<!tpu.dma_semaphore, #tpu.memory_space<semaphore_mem>>)
    %multiple_of3A_17 = arith.constant 32 : i32
    %multiple_of3A_18 = tpu.assume_multiple %multiple_of3A_17, 32 : i32
    %dma_start3A_19 = arith.constant 1 : i32
    %dma_start3A_20 = arith.constant 0 : i32
    %dma_start3A_21 = arith.constant 0 : i32
    %dma_start3A_22 = tpu.memref_slice %arg6[%dma_start3A_19, %dma_start3A_20, %dma_start3A_21] : memref<3x32x1024xf32, #tpu.memory_space<vmem>> -> memref<1x32x1024xf32, #tpu.memory_space<vmem>>
    %dma_start3A_23 = tpu.memref_squeeze %dma_start3A_22 : memref<1x32x1024xf32, #tpu.memory_space<vmem>> -> memref<32x1024xf32, #tpu.memory_space<vmem>>
    %dma_start3A_24 = tpu.memref_slice %arg5[%multiple_of3A_18] : memref<4096xi32, #tpu.memory_space<vmem>> -> memref<32xi32, #tpu.memory_space<vmem>>
    %dma_start3A_25 = arith.constant 0 : i32
    %dma_start3A_26 = arith.constant 0 : i32
    %dma_start3A_27 = tpu.memref_slice %arg3[%dma_start3A_25, %dma_start3A_26] : memref<30522x1024xf32, #tpu.memory_space<hbm>> -> memref<30522x1024xf32, #tpu.memory_space<hbm>>
    tpu.enqueue_indirect_dma source(%dma_start3A_27 : memref<30522x1024xf32, #tpu.memory_space<hbm>>) target(%dma_start3A_23 : memref<32x1024xf32, #tpu.memory_space<vmem>>) offsets(%dma_start3A_24 : memref<32xi32, #tpu.memory_space<vmem>>) semaphore(%arg8 : memref<!tpu.dma_semaphore, #tpu.memory_space<semaphore_mem>>)
    %multiple_of3A_28 = arith.constant 64 : i32
    %multiple_of3A_29 = tpu.assume_multiple %multiple_of3A_28, 32 : i32
    %dma_start3A_30 = arith.constant 2 : i32
    %dma_start3A_31 = arith.constant 0 : i32
    %dma_start3A_32 = arith.constant 0 : i32
    %dma_start3A_33 = tpu.memref_slice %arg6[%dma_start3A_30, %dma_start3A_31, %dma_start3A_32] : memref<3x32x1024xf32, #tpu.memory_space<vmem>> -> memref<1x32x1024xf32, #tpu.memory_space<vmem>>
    %dma_start3A_34 = tpu.memref_squeeze %dma_start3A_33 : memref<1x32x1024xf32, #tpu.memory_space<vmem>> -> memref<32x1024xf32, #tpu.memory_space<vmem>>
    %dma_start3A_35 = tpu.memref_slice %arg5[%multiple_of3A_29] : memref<4096xi32, #tpu.memory_space<vmem>> -> memref<32xi32, #tpu.memory_space<vmem>>
    %dma_start3A_36 = arith.constant 0 : i32
    %dma_start3A_37 = arith.constant 0 : i32
    %dma_start3A_38 = tpu.memref_slice %arg3[%dma_start3A_36, %dma_start3A_37] : memref<30522x1024xf32, #tpu.memory_space<hbm>> -> memref<30522x1024xf32, #tpu.memory_space<hbm>>
    tpu.enqueue_indirect_dma source(%dma_start3A_38 : memref<30522x1024xf32, #tpu.memory_space<hbm>>) target(%dma_start3A_34 : memref<32x1024xf32, #tpu.memory_space<vmem>>) offsets(%dma_start3A_35 : memref<32xi32, #tpu.memory_space<vmem>>) semaphore(%arg9 : memref<!tpu.dma_semaphore, #tpu.memory_space<semaphore_mem>>)
    %scan3A_39 = arith.constant 0 : i32
    %scan3A_40 = arith.constant 0 : i32
    %scan3A_41 = arith.constant 41 : i32
    %scan3A_42 = arith.addi %scan3A_40, %scan3A_41 : i32
    %scan3A_43 = arith.constant 1 : i32
    scf.for %scan3A_261 = %scan3A_40 to %scan3A_42 step %scan3A_43  : i32 {
      %mul3A_262 = arith.constant 3 : i32
      %mul3A_263 = arith.muli %scan3A_261, %mul3A_262 : i32
      %dma_wait3A_264 = arith.constant 0 : i32
      %dma_wait3A_265 = arith.constant 0 : i32
      %dma_wait3A_266 = arith.constant 0 : i32
      %dma_wait3A_267 = tpu.memref_slice %arg6[%dma_wait3A_264, %dma_wait3A_265, %dma_wait3A_266] : memref<3x32x1024xf32, #tpu.memory_space<vmem>> -> memref<1x32x1024xf32, #tpu.memory_space<vmem>>
      %dma_wait3A_268 = tpu.memref_squeeze %dma_wait3A_267 : memref<1x32x1024xf32, #tpu.memory_space<vmem>> -> memref<32x1024xf32, #tpu.memory_space<vmem>>
      %dma_wait3A_269 = arith.constant 0 : i32
      %dma_wait3A_270 = tpu.memref_slice %arg5[%dma_wait3A_269] : memref<4096xi32, #tpu.memory_space<vmem>> -> memref<32xi32, #tpu.memory_space<vmem>>
      %dma_wait3A_271 = arith.constant 0 : i32
      %dma_wait3A_272 = arith.constant 0 : i32
      %dma_wait3A_273 = tpu.memref_slice %arg3[%dma_wait3A_271, %dma_wait3A_272] : memref<30522x1024xf32, #tpu.memory_space<hbm>> -> memref<30522x1024xf32, #tpu.memory_space<hbm>>
      tpu.wait_indirect_dma semaphore(%arg7 : memref<!tpu.dma_semaphore, #tpu.memory_space<semaphore_mem>>) src(%dma_wait3A_273 : memref<30522x1024xf32, #tpu.memory_space<hbm>>) dst(%dma_wait3A_268 : memref<32x1024xf32, #tpu.memory_space<vmem>>)
      %add3A_274 = arith.constant 0 : i32
      %add3A_275 = arith.addi %mul3A_263, %add3A_274 : i32
      %mul3A_276 = arith.constant 32 : i32
      %mul3A_277 = arith.muli %add3A_275, %mul3A_276 : i32
      %multiple_of3A_278 = tpu.assume_multiple %mul3A_277, 32 : i32
      %add3A_279 = arith.addi %mul3A_2, %multiple_of3A_278 : i32
      %dma_start3A_280 = arith.constant 0 : i32
      %dma_start3A_281 = arith.constant 0 : i32
      %dma_start3A_282 = arith.constant 0 : i32
      %dma_start3A_283 = tpu.memref_slice %arg6[%dma_start3A_280, %dma_start3A_281, %dma_start3A_282] : memref<3x32x1024xf32, #tpu.memory_space<vmem>> -> memref<1x32x1024xf32, #tpu.memory_space<vmem>>
      %dma_start3A_284 = tpu.memref_squeeze %dma_start3A_283 : memref<1x32x1024xf32, #tpu.memory_space<vmem>> -> memref<32x1024xf32, #tpu.memory_space<vmem>>
      %dma_start3A_285 = arith.constant 0 : i32
      %dma_start3A_286 = tpu.memref_slice %arg4[%add3A_279, %dma_start3A_285] : memref<131072x1024xf32, #tpu.memory_space<hbm>> -> memref<32x1024xf32, #tpu.memory_space<hbm>>
      %dma_start3A_287 = arith.constant 0 : i32
      %dma_start3A_288 = tpu.memref_slice %arg4[%add3A_279, %dma_start3A_287] : memref<131072x1024xf32, #tpu.memory_space<hbm>> -> memref<32x1024xf32, #tpu.memory_space<hbm>>
      %dma_start3A_289 = arith.constant 0 : i32
      %dma_start3A_290 = arith.constant 0 : i32
      %dma_start3A_291 = tpu.memref_slice %arg6[%dma_start3A_280, %dma_start3A_289, %dma_start3A_290] : memref<3x32x1024xf32, #tpu.memory_space<vmem>> -> memref<1x32x1024xf32, #tpu.memory_space<vmem>>
      %dma_start3A_292 = tpu.memref_squeeze %dma_start3A_291 : memref<1x32x1024xf32, #tpu.memory_space<vmem>> -> memref<32x1024xf32, #tpu.memory_space<vmem>>
      tpu.enqueue_dma source(%dma_start3A_292 : memref<32x1024xf32, #tpu.memory_space<vmem>>) target(%dma_start3A_288 : memref<32x1024xf32, #tpu.memory_space<hbm>>) target_semaphore(%arg10 : memref<!tpu.dma_semaphore, #tpu.memory_space<semaphore_mem>>)
      %dma_wait3A_293 = arith.constant 1 : i32
      %dma_wait3A_294 = arith.constant 0 : i32
      %dma_wait3A_295 = arith.constant 0 : i32
      %dma_wait3A_296 = tpu.memref_slice %arg6[%dma_wait3A_293, %dma_wait3A_294, %dma_wait3A_295] : memref<3x32x1024xf32, #tpu.memory_space<vmem>> -> memref<1x32x1024xf32, #tpu.memory_space<vmem>>
      %dma_wait3A_297 = tpu.memref_squeeze %dma_wait3A_296 : memref<1x32x1024xf32, #tpu.memory_space<vmem>> -> memref<32x1024xf32, #tpu.memory_space<vmem>>
      %dma_wait3A_298 = arith.constant 0 : i32
      %dma_wait3A_299 = tpu.memref_slice %arg5[%dma_wait3A_298] : memref<4096xi32, #tpu.memory_space<vmem>> -> memref<32xi32, #tpu.memory_space<vmem>>
      %dma_wait3A_300 = arith.constant 0 : i32
      %dma_wait3A_301 = arith.constant 0 : i32
      %dma_wait3A_302 = tpu.memref_slice %arg3[%dma_wait3A_300, %dma_wait3A_301] : memref<30522x1024xf32, #tpu.memory_space<hbm>> -> memref<30522x1024xf32, #tpu.memory_space<hbm>>
      tpu.wait_indirect_dma semaphore(%arg8 : memref<!tpu.dma_semaphore, #tpu.memory_space<semaphore_mem>>) src(%dma_wait3A_302 : memref<30522x1024xf32, #tpu.memory_space<hbm>>) dst(%dma_wait3A_297 : memref<32x1024xf32, #tpu.memory_space<vmem>>)
      %add3A_303 = arith.constant 1 : i32
      %add3A_304 = arith.addi %mul3A_263, %add3A_303 : i32
      %mul3A_305 = arith.constant 32 : i32
      %mul3A_306 = arith.muli %add3A_304, %mul3A_305 : i32
      %multiple_of3A_307 = tpu.assume_multiple %mul3A_306, 32 : i32
      %add3A_308 = arith.addi %mul3A_2, %multiple_of3A_307 : i32
      %dma_start3A_309 = arith.constant 1 : i32
      %dma_start3A_310 = arith.constant 0 : i32
      %dma_start3A_311 = arith.constant 0 : i32
      %dma_start3A_312 = tpu.memref_slice %arg6[%dma_start3A_309, %dma_start3A_310, %dma_start3A_311] : memref<3x32x1024xf32, #tpu.memory_space<vmem>> -> memref<1x32x1024xf32, #tpu.memory_space<vmem>>
      %dma_start3A_313 = tpu.memref_squeeze %dma_start3A_312 : memref<1x32x1024xf32, #tpu.memory_space<vmem>> -> memref<32x1024xf32, #tpu.memory_space<vmem>>
      %dma_start3A_314 = arith.constant 0 : i32
      %dma_start3A_315 = tpu.memref_slice %arg4[%add3A_308, %dma_start3A_314] : memref<131072x1024xf32, #tpu.memory_space<hbm>> -> memref<32x1024xf32, #tpu.memory_space<hbm>>
      %dma_start3A_316 = arith.constant 0 : i32
      %dma_start3A_317 = tpu.memref_slice %arg4[%add3A_308, %dma_start3A_316] : memref<131072x1024xf32, #tpu.memory_space<hbm>> -> memref<32x1024xf32, #tpu.memory_space<hbm>>
      %dma_start3A_318 = arith.constant 0 : i32
      %dma_start3A_319 = arith.constant 0 : i32
      %dma_start3A_320 = tpu.memref_slice %arg6[%dma_start3A_309, %dma_start3A_318, %dma_start3A_319] : memref<3x32x1024xf32, #tpu.memory_space<vmem>> -> memref<1x32x1024xf32, #tpu.memory_space<vmem>>
      %dma_start3A_321 = tpu.memref_squeeze %dma_start3A_320 : memref<1x32x1024xf32, #tpu.memory_space<vmem>> -> memref<32x1024xf32, #tpu.memory_space<vmem>>
      tpu.enqueue_dma source(%dma_start3A_321 : memref<32x1024xf32, #tpu.memory_space<vmem>>) target(%dma_start3A_317 : memref<32x1024xf32, #tpu.memory_space<hbm>>) target_semaphore(%arg11 : memref<!tpu.dma_semaphore, #tpu.memory_space<semaphore_mem>>)
      %dma_wait3A_322 = arith.constant 2 : i32
      %dma_wait3A_323 = arith.constant 0 : i32
      %dma_wait3A_324 = arith.constant 0 : i32
      %dma_wait3A_325 = tpu.memref_slice %arg6[%dma_wait3A_322, %dma_wait3A_323, %dma_wait3A_324] : memref<3x32x1024xf32, #tpu.memory_space<vmem>> -> memref<1x32x1024xf32, #tpu.memory_space<vmem>>
      %dma_wait3A_326 = tpu.memref_squeeze %dma_wait3A_325 : memref<1x32x1024xf32, #tpu.memory_space<vmem>> -> memref<32x1024xf32, #tpu.memory_space<vmem>>
      %dma_wait3A_327 = arith.constant 0 : i32
      %dma_wait3A_328 = tpu.memref_slice %arg5[%dma_wait3A_327] : memref<4096xi32, #tpu.memory_space<vmem>> -> memref<32xi32, #tpu.memory_space<vmem>>
      %dma_wait3A_329 = arith.constant 0 : i32
      %dma_wait3A_330 = arith.constant 0 : i32
      %dma_wait3A_331 = tpu.memref_slice %arg3[%dma_wait3A_329, %dma_wait3A_330] : memref<30522x1024xf32, #tpu.memory_space<hbm>> -> memref<30522x1024xf32, #tpu.memory_space<hbm>>
      tpu.wait_indirect_dma semaphore(%arg9 : memref<!tpu.dma_semaphore, #tpu.memory_space<semaphore_mem>>) src(%dma_wait3A_331 : memref<30522x1024xf32, #tpu.memory_space<hbm>>) dst(%dma_wait3A_326 : memref<32x1024xf32, #tpu.memory_space<vmem>>)
      %add3A_332 = arith.constant 2 : i32
      %add3A_333 = arith.addi %mul3A_263, %add3A_332 : i32
      %mul3A_334 = arith.constant 32 : i32
      %mul3A_335 = arith.muli %add3A_333, %mul3A_334 : i32
      %multiple_of3A_336 = tpu.assume_multiple %mul3A_335, 32 : i32
      %add3A_337 = arith.addi %mul3A_2, %multiple_of3A_336 : i32
      %dma_start3A_338 = arith.constant 2 : i32
      %dma_start3A_339 = arith.constant 0 : i32
      %dma_start3A_340 = arith.constant 0 : i32
      %dma_start3A_341 = tpu.memref_slice %arg6[%dma_start3A_338, %dma_start3A_339, %dma_start3A_340] : memref<3x32x1024xf32, #tpu.memory_space<vmem>> -> memref<1x32x1024xf32, #tpu.memory_space<vmem>>
      %dma_start3A_342 = tpu.memref_squeeze %dma_start3A_341 : memref<1x32x1024xf32, #tpu.memory_space<vmem>> -> memref<32x1024xf32, #tpu.memory_space<vmem>>
      %dma_start3A_343 = arith.constant 0 : i32
      %dma_start3A_344 = tpu.memref_slice %arg4[%add3A_337, %dma_start3A_343] : memref<131072x1024xf32, #tpu.memory_space<hbm>> -> memref<32x1024xf32, #tpu.memory_space<hbm>>
      %dma_start3A_345 = arith.constant 0 : i32
      %dma_start3A_346 = tpu.memref_slice %arg4[%add3A_337, %dma_start3A_345] : memref<131072x1024xf32, #tpu.memory_space<hbm>> -> memref<32x1024xf32, #tpu.memory_space<hbm>>
      %dma_start3A_347 = arith.constant 0 : i32
      %dma_start3A_348 = arith.constant 0 : i32
      %dma_start3A_349 = tpu.memref_slice %arg6[%dma_start3A_338, %dma_start3A_347, %dma_start3A_348] : memref<3x32x1024xf32, #tpu.memory_space<vmem>> -> memref<1x32x1024xf32, #tpu.memory_space<vmem>>
      %dma_start3A_350 = tpu.memref_squeeze %dma_start3A_349 : memref<1x32x1024xf32, #tpu.memory_space<vmem>> -> memref<32x1024xf32, #tpu.memory_space<vmem>>
      tpu.enqueue_dma source(%dma_start3A_350 : memref<32x1024xf32, #tpu.memory_space<vmem>>) target(%dma_start3A_346 : memref<32x1024xf32, #tpu.memory_space<hbm>>) target_semaphore(%arg12 : memref<!tpu.dma_semaphore, #tpu.memory_space<semaphore_mem>>)
      %dma_wait3A_351 = arith.constant 0 : i32
      %dma_wait3A_352 = arith.constant 0 : i32
      %dma_wait3A_353 = arith.constant 0 : i32
      %dma_wait3A_354 = tpu.memref_slice %arg6[%dma_wait3A_351, %dma_wait3A_352, %dma_wait3A_353] : memref<3x32x1024xf32, #tpu.memory_space<vmem>> -> memref<1x32x1024xf32, #tpu.memory_space<vmem>>
      %dma_wait3A_355 = tpu.memref_squeeze %dma_wait3A_354 : memref<1x32x1024xf32, #tpu.memory_space<vmem>> -> memref<32x1024xf32, #tpu.memory_space<vmem>>
      %dma_wait3A_356 = arith.constant 0 : i32
      %dma_wait3A_357 = tpu.memref_slice %arg4[%mul3A_2, %dma_wait3A_356] : memref<131072x1024xf32, #tpu.memory_space<hbm>> -> memref<32x1024xf32, #tpu.memory_space<hbm>>
      %dma_wait3A_358 = arith.constant 0 : i32
      %dma_wait3A_359 = tpu.memref_slice %arg4[%mul3A_2, %dma_wait3A_358] : memref<131072x1024xf32, #tpu.memory_space<hbm>> -> memref<32x1024xf32, #tpu.memory_space<hbm>>
      %dma_wait3A_360 = arith.constant 0 : i32
      %dma_wait3A_361 = arith.constant 0 : i32
      %dma_wait3A_362 = tpu.memref_slice %arg6[%dma_wait3A_351, %dma_wait3A_360, %dma_wait3A_361] : memref<3x32x1024xf32, #tpu.memory_space<vmem>> -> memref<1x32x1024xf32, #tpu.memory_space<vmem>>
      %dma_wait3A_363 = tpu.memref_squeeze %dma_wait3A_362 : memref<1x32x1024xf32, #tpu.memory_space<vmem>> -> memref<32x1024xf32, #tpu.memory_space<vmem>>
      tpu.wait_dma2 semaphore(%arg10 : memref<!tpu.dma_semaphore, #tpu.memory_space<semaphore_mem>>) src(%dma_wait3A_363 : memref<32x1024xf32, #tpu.memory_space<vmem>>) dst(%dma_wait3A_359 : memref<32x1024xf32, #tpu.memory_space<hbm>>)
      %add3A_364 = arith.constant 3 : i32
      %add3A_365 = arith.addi %mul3A_263, %add3A_364 : i32
      %add3A_366 = arith.constant 0 : i32
      %add3A_367 = arith.addi %add3A_365, %add3A_366 : i32
      %mul3A_368 = arith.constant 32 : i32
      %mul3A_369 = arith.muli %add3A_367, %mul3A_368 : i32
      %multiple_of3A_370 = tpu.assume_multiple %mul3A_369, 32 : i32
      %dma_start3A_371 = arith.constant 0 : i32
      %dma_start3A_372 = arith.constant 0 : i32
      %dma_start3A_373 = arith.constant 0 : i32
      %dma_start3A_374 = tpu.memref_slice %arg6[%dma_start3A_371, %dma_start3A_372, %dma_start3A_373] : memref<3x32x1024xf32, #tpu.memory_space<vmem>> -> memref<1x32x1024xf32, #tpu.memory_space<vmem>>
      %dma_start3A_375 = tpu.memref_squeeze %dma_start3A_374 : memref<1x32x1024xf32, #tpu.memory_space<vmem>> -> memref<32x1024xf32, #tpu.memory_space<vmem>>
      %dma_start3A_376 = tpu.memref_slice %arg5[%multiple_of3A_370] : memref<4096xi32, #tpu.memory_space<vmem>> -> memref<32xi32, #tpu.memory_space<vmem>>
      %dma_start3A_377 = arith.constant 0 : i32
      %dma_start3A_378 = arith.constant 0 : i32
      %dma_start3A_379 = tpu.memref_slice %arg3[%dma_start3A_377, %dma_start3A_378] : memref<30522x1024xf32, #tpu.memory_space<hbm>> -> memref<30522x1024xf32, #tpu.memory_space<hbm>>
      tpu.enqueue_indirect_dma source(%dma_start3A_379 : memref<30522x1024xf32, #tpu.memory_space<hbm>>) target(%dma_start3A_375 : memref<32x1024xf32, #tpu.memory_space<vmem>>) offsets(%dma_start3A_376 : memref<32xi32, #tpu.memory_space<vmem>>) semaphore(%arg7 : memref<!tpu.dma_semaphore, #tpu.memory_space<semaphore_mem>>)
      %dma_wait3A_380 = arith.constant 1 : i32
      %dma_wait3A_381 = arith.constant 0 : i32
      %dma_wait3A_382 = arith.constant 0 : i32
      %dma_wait3A_383 = tpu.memref_slice %arg6[%dma_wait3A_380, %dma_wait3A_381, %dma_wait3A_382] : memref<3x32x1024xf32, #tpu.memory_space<vmem>> -> memref<1x32x1024xf32, #tpu.memory_space<vmem>>
      %dma_wait3A_384 = tpu.memref_squeeze %dma_wait3A_383 : memref<1x32x1024xf32, #tpu.memory_space<vmem>> -> memref<32x1024xf32, #tpu.memory_space<vmem>>
      %dma_wait3A_385 = arith.constant 0 : i32
      %dma_wait3A_386 = tpu.memref_slice %arg4[%mul3A_2, %dma_wait3A_385] : memref<131072x1024xf32, #tpu.memory_space<hbm>> -> memref<32x1024xf32, #tpu.memory_space<hbm>>
      %dma_wait3A_387 = arith.constant 0 : i32
      %dma_wait3A_388 = tpu.memref_slice %arg4[%mul3A_2, %dma_wait3A_387] : memref<131072x1024xf32, #tpu.memory_space<hbm>> -> memref<32x1024xf32, #tpu.memory_space<hbm>>
      %dma_wait3A_389 = arith.constant 0 : i32
      %dma_wait3A_390 = arith.constant 0 : i32
      %dma_wait3A_391 = tpu.memref_slice %arg6[%dma_wait3A_380, %dma_wait3A_389, %dma_wait3A_390] : memref<3x32x1024xf32, #tpu.memory_space<vmem>> -> memref<1x32x1024xf32, #tpu.memory_space<vmem>>
      %dma_wait3A_392 = tpu.memref_squeeze %dma_wait3A_391 : memref<1x32x1024xf32, #tpu.memory_space<vmem>> -> memref<32x1024xf32, #tpu.memory_space<vmem>>
      tpu.wait_dma2 semaphore(%arg11 : memref<!tpu.dma_semaphore, #tpu.memory_space<semaphore_mem>>) src(%dma_wait3A_392 : memref<32x1024xf32, #tpu.memory_space<vmem>>) dst(%dma_wait3A_388 : memref<32x1024xf32, #tpu.memory_space<hbm>>)
      %add3A_393 = arith.constant 3 : i32
      %add3A_394 = arith.addi %mul3A_263, %add3A_393 : i32
      %add3A_395 = arith.constant 1 : i32
      %add3A_396 = arith.addi %add3A_394, %add3A_395 : i32
      %mul3A_397 = arith.constant 32 : i32
      %mul3A_398 = arith.muli %add3A_396, %mul3A_397 : i32
      %multiple_of3A_399 = tpu.assume_multiple %mul3A_398, 32 : i32
      %dma_start3A_400 = arith.constant 1 : i32
      %dma_start3A_401 = arith.constant 0 : i32
      %dma_start3A_402 = arith.constant 0 : i32
      %dma_start3A_403 = tpu.memref_slice %arg6[%dma_start3A_400, %dma_start3A_401, %dma_start3A_402] : memref<3x32x1024xf32, #tpu.memory_space<vmem>> -> memref<1x32x1024xf32, #tpu.memory_space<vmem>>
      %dma_start3A_404 = tpu.memref_squeeze %dma_start3A_403 : memref<1x32x1024xf32, #tpu.memory_space<vmem>> -> memref<32x1024xf32, #tpu.memory_space<vmem>>
      %dma_start3A_405 = tpu.memref_slice %arg5[%multiple_of3A_399] : memref<4096xi32, #tpu.memory_space<vmem>> -> memref<32xi32, #tpu.memory_space<vmem>>
      %dma_start3A_406 = arith.constant 0 : i32
      %dma_start3A_407 = arith.constant 0 : i32
      %dma_start3A_408 = tpu.memref_slice %arg3[%dma_start3A_406, %dma_start3A_407] : memref<30522x1024xf32, #tpu.memory_space<hbm>> -> memref<30522x1024xf32, #tpu.memory_space<hbm>>
      tpu.enqueue_indirect_dma source(%dma_start3A_408 : memref<30522x1024xf32, #tpu.memory_space<hbm>>) target(%dma_start3A_404 : memref<32x1024xf32, #tpu.memory_space<vmem>>) offsets(%dma_start3A_405 : memref<32xi32, #tpu.memory_space<vmem>>) semaphore(%arg8 : memref<!tpu.dma_semaphore, #tpu.memory_space<semaphore_mem>>)
      %dma_wait3A_409 = arith.constant 2 : i32
      %dma_wait3A_410 = arith.constant 0 : i32
      %dma_wait3A_411 = arith.constant 0 : i32
      %dma_wait3A_412 = tpu.memref_slice %arg6[%dma_wait3A_409, %dma_wait3A_410, %dma_wait3A_411] : memref<3x32x1024xf32, #tpu.memory_space<vmem>> -> memref<1x32x1024xf32, #tpu.memory_space<vmem>>
      %dma_wait3A_413 = tpu.memref_squeeze %dma_wait3A_412 : memref<1x32x1024xf32, #tpu.memory_space<vmem>> -> memref<32x1024xf32, #tpu.memory_space<vmem>>
      %dma_wait3A_414 = arith.constant 0 : i32
      %dma_wait3A_415 = tpu.memref_slice %arg4[%mul3A_2, %dma_wait3A_414] : memref<131072x1024xf32, #tpu.memory_space<hbm>> -> memref<32x1024xf32, #tpu.memory_space<hbm>>
      %dma_wait3A_416 = arith.constant 0 : i32
      %dma_wait3A_417 = tpu.memref_slice %arg4[%mul3A_2, %dma_wait3A_416] : memref<131072x1024xf32, #tpu.memory_space<hbm>> -> memref<32x1024xf32, #tpu.memory_space<hbm>>
      %dma_wait3A_418 = arith.constant 0 : i32
      %dma_wait3A_419 = arith.constant 0 : i32
      %dma_wait3A_420 = tpu.memref_slice %arg6[%dma_wait3A_409, %dma_wait3A_418, %dma_wait3A_419] : memref<3x32x1024xf32, #tpu.memory_space<vmem>> -> memref<1x32x1024xf32, #tpu.memory_space<vmem>>
      %dma_wait3A_421 = tpu.memref_squeeze %dma_wait3A_420 : memref<1x32x1024xf32, #tpu.memory_space<vmem>> -> memref<32x1024xf32, #tpu.memory_space<vmem>>
      tpu.wait_dma2 semaphore(%arg12 : memref<!tpu.dma_semaphore, #tpu.memory_space<semaphore_mem>>) src(%dma_wait3A_421 : memref<32x1024xf32, #tpu.memory_space<vmem>>) dst(%dma_wait3A_417 : memref<32x1024xf32, #tpu.memory_space<hbm>>)
      %add3A_422 = arith.constant 3 : i32
      %add3A_423 = arith.addi %mul3A_263, %add3A_422 : i32
      %add3A_424 = arith.constant 2 : i32
      %add3A_425 = arith.addi %add3A_423, %add3A_424 : i32
      %mul3A_426 = arith.constant 32 : i32
      %mul3A_427 = arith.muli %add3A_425, %mul3A_426 : i32
      %multiple_of3A_428 = tpu.assume_multiple %mul3A_427, 32 : i32
      %dma_start3A_429 = arith.constant 2 : i32
      %dma_start3A_430 = arith.constant 0 : i32
      %dma_start3A_431 = arith.constant 0 : i32
      %dma_start3A_432 = tpu.memref_slice %arg6[%dma_start3A_429, %dma_start3A_430, %dma_start3A_431] : memref<3x32x1024xf32, #tpu.memory_space<vmem>> -> memref<1x32x1024xf32, #tpu.memory_space<vmem>>
      %dma_start3A_433 = tpu.memref_squeeze %dma_start3A_432 : memref<1x32x1024xf32, #tpu.memory_space<vmem>> -> memref<32x1024xf32, #tpu.memory_space<vmem>>
      %dma_start3A_434 = tpu.memref_slice %arg5[%multiple_of3A_428] : memref<4096xi32, #tpu.memory_space<vmem>> -> memref<32xi32, #tpu.memory_space<vmem>>
      %dma_start3A_435 = arith.constant 0 : i32
      %dma_start3A_436 = arith.constant 0 : i32
      %dma_start3A_437 = tpu.memref_slice %arg3[%dma_start3A_435, %dma_start3A_436] : memref<30522x1024xf32, #tpu.memory_space<hbm>> -> memref<30522x1024xf32, #tpu.memory_space<hbm>>
      tpu.enqueue_indirect_dma source(%dma_start3A_437 : memref<30522x1024xf32, #tpu.memory_space<hbm>>) target(%dma_start3A_433 : memref<32x1024xf32, #tpu.memory_space<vmem>>) offsets(%dma_start3A_434 : memref<32xi32, #tpu.memory_space<vmem>>) semaphore(%arg9 : memref<!tpu.dma_semaphore, #tpu.memory_space<semaphore_mem>>)
    }
    %scan3A_44 = arith.constant 41 : i32
    %dma_wait3A = arith.constant 0 : i32
    %dma_wait3A_45 = arith.constant 0 : i32
    %dma_wait3A_46 = arith.constant 0 : i32
    %dma_wait3A_47 = tpu.memref_slice %arg6[%dma_wait3A, %dma_wait3A_45, %dma_wait3A_46] : memref<3x32x1024xf32, #tpu.memory_space<vmem>> -> memref<1x32x1024xf32, #tpu.memory_space<vmem>>
    %dma_wait3A_48 = tpu.memref_squeeze %dma_wait3A_47 : memref<1x32x1024xf32, #tpu.memory_space<vmem>> -> memref<32x1024xf32, #tpu.memory_space<vmem>>
    %dma_wait3A_49 = arith.constant 0 : i32
    %dma_wait3A_50 = tpu.memref_slice %arg5[%dma_wait3A_49] : memref<4096xi32, #tpu.memory_space<vmem>> -> memref<32xi32, #tpu.memory_space<vmem>>
    %dma_wait3A_51 = arith.constant 0 : i32
    %dma_wait3A_52 = arith.constant 0 : i32
    %dma_wait3A_53 = tpu.memref_slice %arg3[%dma_wait3A_51, %dma_wait3A_52] : memref<30522x1024xf32, #tpu.memory_space<hbm>> -> memref<30522x1024xf32, #tpu.memory_space<hbm>>
    tpu.wait_indirect_dma semaphore(%arg7 : memref<!tpu.dma_semaphore, #tpu.memory_space<semaphore_mem>>) src(%dma_wait3A_53 : memref<30522x1024xf32, #tpu.memory_space<hbm>>) dst(%dma_wait3A_48 : memref<32x1024xf32, #tpu.memory_space<vmem>>)
    %multiple_of3A_54 = arith.constant 3936 : i32
    %multiple_of3A_55 = tpu.assume_multiple %multiple_of3A_54, 32 : i32
    %add3A_56 = arith.addi %mul3A_2, %multiple_of3A_55 : i32
    %dma_start3A_57 = arith.constant 0 : i32
    %dma_start3A_58 = arith.constant 0 : i32
    %dma_start3A_59 = arith.constant 0 : i32
    %dma_start3A_60 = tpu.memref_slice %arg6[%dma_start3A_57, %dma_start3A_58, %dma_start3A_59] : memref<3x32x1024xf32, #tpu.memory_space<vmem>> -> memref<1x32x1024xf32, #tpu.memory_space<vmem>>
    %dma_start3A_61 = tpu.memref_squeeze %dma_start3A_60 : memref<1x32x1024xf32, #tpu.memory_space<vmem>> -> memref<32x1024xf32, #tpu.memory_space<vmem>>
    %dma_start3A_62 = arith.constant 0 : i32
    %dma_start3A_63 = tpu.memref_slice %arg4[%add3A_56, %dma_start3A_62] : memref<131072x1024xf32, #tpu.memory_space<hbm>> -> memref<32x1024xf32, #tpu.memory_space<hbm>>
    %dma_start3A_64 = arith.constant 0 : i32
    %dma_start3A_65 = tpu.memref_slice %arg4[%add3A_56, %dma_start3A_64] : memref<131072x1024xf32, #tpu.memory_space<hbm>> -> memref<32x1024xf32, #tpu.memory_space<hbm>>
    %dma_start3A_66 = arith.constant 0 : i32
    %dma_start3A_67 = arith.constant 0 : i32
    %dma_start3A_68 = tpu.memref_slice %arg6[%dma_start3A_57, %dma_start3A_66, %dma_start3A_67] : memref<3x32x1024xf32, #tpu.memory_space<vmem>> -> memref<1x32x1024xf32, #tpu.memory_space<vmem>>
    %dma_start3A_69 = tpu.memref_squeeze %dma_start3A_68 : memref<1x32x1024xf32, #tpu.memory_space<vmem>> -> memref<32x1024xf32, #tpu.memory_space<vmem>>
    tpu.enqueue_dma source(%dma_start3A_69 : memref<32x1024xf32, #tpu.memory_space<vmem>>) target(%dma_start3A_65 : memref<32x1024xf32, #tpu.memory_space<hbm>>) target_semaphore(%arg10 : memref<!tpu.dma_semaphore, #tpu.memory_space<semaphore_mem>>)
    %dma_wait3A_70 = arith.constant 1 : i32
    %dma_wait3A_71 = arith.constant 0 : i32
    %dma_wait3A_72 = arith.constant 0 : i32
    %dma_wait3A_73 = tpu.memref_slice %arg6[%dma_wait3A_70, %dma_wait3A_71, %dma_wait3A_72] : memref<3x32x1024xf32, #tpu.memory_space<vmem>> -> memref<1x32x1024xf32, #tpu.memory_space<vmem>>
    %dma_wait3A_74 = tpu.memref_squeeze %dma_wait3A_73 : memref<1x32x1024xf32, #tpu.memory_space<vmem>> -> memref<32x1024xf32, #tpu.memory_space<vmem>>
    %dma_wait3A_75 = arith.constant 0 : i32
    %dma_wait3A_76 = tpu.memref_slice %arg5[%dma_wait3A_75] : memref<4096xi32, #tpu.memory_space<vmem>> -> memref<32xi32, #tpu.memory_space<vmem>>
    %dma_wait3A_77 = arith.constant 0 : i32
    %dma_wait3A_78 = arith.constant 0 : i32
    %dma_wait3A_79 = tpu.memref_slice %arg3[%dma_wait3A_77, %dma_wait3A_78] : memref<30522x1024xf32, #tpu.memory_space<hbm>> -> memref<30522x1024xf32, #tpu.memory_space<hbm>>
    tpu.wait_indirect_dma semaphore(%arg8 : memref<!tpu.dma_semaphore, #tpu.memory_space<semaphore_mem>>) src(%dma_wait3A_79 : memref<30522x1024xf32, #tpu.memory_space<hbm>>) dst(%dma_wait3A_74 : memref<32x1024xf32, #tpu.memory_space<vmem>>)
    %multiple_of3A_80 = arith.constant 3968 : i32
    %multiple_of3A_81 = tpu.assume_multiple %multiple_of3A_80, 32 : i32
    %add3A_82 = arith.addi %mul3A_2, %multiple_of3A_81 : i32
    %dma_start3A_83 = arith.constant 1 : i32
    %dma_start3A_84 = arith.constant 0 : i32
    %dma_start3A_85 = arith.constant 0 : i32
    %dma_start3A_86 = tpu.memref_slice %arg6[%dma_start3A_83, %dma_start3A_84, %dma_start3A_85] : memref<3x32x1024xf32, #tpu.memory_space<vmem>> -> memref<1x32x1024xf32, #tpu.memory_space<vmem>>
    %dma_start3A_87 = tpu.memref_squeeze %dma_start3A_86 : memref<1x32x1024xf32, #tpu.memory_space<vmem>> -> memref<32x1024xf32, #tpu.memory_space<vmem>>
    %dma_start3A_88 = arith.constant 0 : i32
    %dma_start3A_89 = tpu.memref_slice %arg4[%add3A_82, %dma_start3A_88] : memref<131072x1024xf32, #tpu.memory_space<hbm>> -> memref<32x1024xf32, #tpu.memory_space<hbm>>
    %dma_start3A_90 = arith.constant 0 : i32
    %dma_start3A_91 = tpu.memref_slice %arg4[%add3A_82, %dma_start3A_90] : memref<131072x1024xf32, #tpu.memory_space<hbm>> -> memref<32x1024xf32, #tpu.memory_space<hbm>>
    %dma_start3A_92 = arith.constant 0 : i32
    %dma_start3A_93 = arith.constant 0 : i32
    %dma_start3A_94 = tpu.memref_slice %arg6[%dma_start3A_83, %dma_start3A_92, %dma_start3A_93] : memref<3x32x1024xf32, #tpu.memory_space<vmem>> -> memref<1x32x1024xf32, #tpu.memory_space<vmem>>
    %dma_start3A_95 = tpu.memref_squeeze %dma_start3A_94 : memref<1x32x1024xf32, #tpu.memory_space<vmem>> -> memref<32x1024xf32, #tpu.memory_space<vmem>>
    tpu.enqueue_dma source(%dma_start3A_95 : memref<32x1024xf32, #tpu.memory_space<vmem>>) target(%dma_start3A_91 : memref<32x1024xf32, #tpu.memory_space<hbm>>) target_semaphore(%arg11 : memref<!tpu.dma_semaphore, #tpu.memory_space<semaphore_mem>>)
    %dma_wait3A_96 = arith.constant 2 : i32
    %dma_wait3A_97 = arith.constant 0 : i32
    %dma_wait3A_98 = arith.constant 0 : i32
    %dma_wait3A_99 = tpu.memref_slice %arg6[%dma_wait3A_96, %dma_wait3A_97, %dma_wait3A_98] : memref<3x32x1024xf32, #tpu.memory_space<vmem>> -> memref<1x32x1024xf32, #tpu.memory_space<vmem>>
    %dma_wait3A_100 = tpu.memref_squeeze %dma_wait3A_99 : memref<1x32x1024xf32, #tpu.memory_space<vmem>> -> memref<32x1024xf32, #tpu.memory_space<vmem>>
    %dma_wait3A_101 = arith.constant 0 : i32
    %dma_wait3A_102 = tpu.memref_slice %arg5[%dma_wait3A_101] : memref<4096xi32, #tpu.memory_space<vmem>> -> memref<32xi32, #tpu.memory_space<vmem>>
    %dma_wait3A_103 = arith.constant 0 : i32
    %dma_wait3A_104 = arith.constant 0 : i32
    %dma_wait3A_105 = tpu.memref_slice %arg3[%dma_wait3A_103, %dma_wait3A_104] : memref<30522x1024xf32, #tpu.memory_space<hbm>> -> memref<30522x1024xf32, #tpu.memory_space<hbm>>
    tpu.wait_indirect_dma semaphore(%arg9 : memref<!tpu.dma_semaphore, #tpu.memory_space<semaphore_mem>>) src(%dma_wait3A_105 : memref<30522x1024xf32, #tpu.memory_space<hbm>>) dst(%dma_wait3A_100 : memref<32x1024xf32, #tpu.memory_space<vmem>>)
    %multiple_of3A_106 = arith.constant 4000 : i32
    %multiple_of3A_107 = tpu.assume_multiple %multiple_of3A_106, 32 : i32
    %add3A_108 = arith.addi %mul3A_2, %multiple_of3A_107 : i32
    %dma_start3A_109 = arith.constant 2 : i32
    %dma_start3A_110 = arith.constant 0 : i32
    %dma_start3A_111 = arith.constant 0 : i32
    %dma_start3A_112 = tpu.memref_slice %arg6[%dma_start3A_109, %dma_start3A_110, %dma_start3A_111] : memref<3x32x1024xf32, #tpu.memory_space<vmem>> -> memref<1x32x1024xf32, #tpu.memory_space<vmem>>
    %dma_start3A_113 = tpu.memref_squeeze %dma_start3A_112 : memref<1x32x1024xf32, #tpu.memory_space<vmem>> -> memref<32x1024xf32, #tpu.memory_space<vmem>>
    %dma_start3A_114 = arith.constant 0 : i32
    %dma_start3A_115 = tpu.memref_slice %arg4[%add3A_108, %dma_start3A_114] : memref<131072x1024xf32, #tpu.memory_space<hbm>> -> memref<32x1024xf32, #tpu.memory_space<hbm>>
    %dma_start3A_116 = arith.constant 0 : i32
    %dma_start3A_117 = tpu.memref_slice %arg4[%add3A_108, %dma_start3A_116] : memref<131072x1024xf32, #tpu.memory_space<hbm>> -> memref<32x1024xf32, #tpu.memory_space<hbm>>
    %dma_start3A_118 = arith.constant 0 : i32
    %dma_start3A_119 = arith.constant 0 : i32
    %dma_start3A_120 = tpu.memref_slice %arg6[%dma_start3A_109, %dma_start3A_118, %dma_start3A_119] : memref<3x32x1024xf32, #tpu.memory_space<vmem>> -> memref<1x32x1024xf32, #tpu.memory_space<vmem>>
    %dma_start3A_121 = tpu.memref_squeeze %dma_start3A_120 : memref<1x32x1024xf32, #tpu.memory_space<vmem>> -> memref<32x1024xf32, #tpu.memory_space<vmem>>
    tpu.enqueue_dma source(%dma_start3A_121 : memref<32x1024xf32, #tpu.memory_space<vmem>>) target(%dma_start3A_117 : memref<32x1024xf32, #tpu.memory_space<hbm>>) target_semaphore(%arg12 : memref<!tpu.dma_semaphore, #tpu.memory_space<semaphore_mem>>)
    %dma_wait3A_122 = arith.constant 0 : i32
    %dma_wait3A_123 = arith.constant 0 : i32
    %dma_wait3A_124 = arith.constant 0 : i32
    %dma_wait3A_125 = tpu.memref_slice %arg6[%dma_wait3A_122, %dma_wait3A_123, %dma_wait3A_124] : memref<3x32x1024xf32, #tpu.memory_space<vmem>> -> memref<1x32x1024xf32, #tpu.memory_space<vmem>>
    %dma_wait3A_126 = tpu.memref_squeeze %dma_wait3A_125 : memref<1x32x1024xf32, #tpu.memory_space<vmem>> -> memref<32x1024xf32, #tpu.memory_space<vmem>>
    %dma_wait3A_127 = arith.constant 0 : i32
    %dma_wait3A_128 = tpu.memref_slice %arg4[%mul3A_2, %dma_wait3A_127] : memref<131072x1024xf32, #tpu.memory_space<hbm>> -> memref<32x1024xf32, #tpu.memory_space<hbm>>
    %dma_wait3A_129 = arith.constant 0 : i32
    %dma_wait3A_130 = tpu.memref_slice %arg4[%mul3A_2, %dma_wait3A_129] : memref<131072x1024xf32, #tpu.memory_space<hbm>> -> memref<32x1024xf32, #tpu.memory_space<hbm>>
    %dma_wait3A_131 = arith.constant 0 : i32
    %dma_wait3A_132 = arith.constant 0 : i32
    %dma_wait3A_133 = tpu.memref_slice %arg6[%dma_wait3A_122, %dma_wait3A_131, %dma_wait3A_132] : memref<3x32x1024xf32, #tpu.memory_space<vmem>> -> memref<1x32x1024xf32, #tpu.memory_space<vmem>>
    %dma_wait3A_134 = tpu.memref_squeeze %dma_wait3A_133 : memref<1x32x1024xf32, #tpu.memory_space<vmem>> -> memref<32x1024xf32, #tpu.memory_space<vmem>>
    tpu.wait_dma2 semaphore(%arg10 : memref<!tpu.dma_semaphore, #tpu.memory_space<semaphore_mem>>) src(%dma_wait3A_134 : memref<32x1024xf32, #tpu.memory_space<vmem>>) dst(%dma_wait3A_130 : memref<32x1024xf32, #tpu.memory_space<hbm>>)
    %multiple_of3A_135 = arith.constant 4032 : i32
    %multiple_of3A_136 = tpu.assume_multiple %multiple_of3A_135, 32 : i32
    %dma_start3A_137 = arith.constant 0 : i32
    %dma_start3A_138 = arith.constant 0 : i32
    %dma_start3A_139 = arith.constant 0 : i32
    %dma_start3A_140 = tpu.memref_slice %arg6[%dma_start3A_137, %dma_start3A_138, %dma_start3A_139] : memref<3x32x1024xf32, #tpu.memory_space<vmem>> -> memref<1x32x1024xf32, #tpu.memory_space<vmem>>
    %dma_start3A_141 = tpu.memref_squeeze %dma_start3A_140 : memref<1x32x1024xf32, #tpu.memory_space<vmem>> -> memref<32x1024xf32, #tpu.memory_space<vmem>>
    %dma_start3A_142 = tpu.memref_slice %arg5[%multiple_of3A_136] : memref<4096xi32, #tpu.memory_space<vmem>> -> memref<32xi32, #tpu.memory_space<vmem>>
    %dma_start3A_143 = arith.constant 0 : i32
    %dma_start3A_144 = arith.constant 0 : i32
    %dma_start3A_145 = tpu.memref_slice %arg3[%dma_start3A_143, %dma_start3A_144] : memref<30522x1024xf32, #tpu.memory_space<hbm>> -> memref<30522x1024xf32, #tpu.memory_space<hbm>>
    tpu.enqueue_indirect_dma source(%dma_start3A_145 : memref<30522x1024xf32, #tpu.memory_space<hbm>>) target(%dma_start3A_141 : memref<32x1024xf32, #tpu.memory_space<vmem>>) offsets(%dma_start3A_142 : memref<32xi32, #tpu.memory_space<vmem>>) semaphore(%arg7 : memref<!tpu.dma_semaphore, #tpu.memory_space<semaphore_mem>>)
    %dma_wait3A_146 = arith.constant 1 : i32
    %dma_wait3A_147 = arith.constant 0 : i32
    %dma_wait3A_148 = arith.constant 0 : i32
    %dma_wait3A_149 = tpu.memref_slice %arg6[%dma_wait3A_146, %dma_wait3A_147, %dma_wait3A_148] : memref<3x32x1024xf32, #tpu.memory_space<vmem>> -> memref<1x32x1024xf32, #tpu.memory_space<vmem>>
    %dma_wait3A_150 = tpu.memref_squeeze %dma_wait3A_149 : memref<1x32x1024xf32, #tpu.memory_space<vmem>> -> memref<32x1024xf32, #tpu.memory_space<vmem>>
    %dma_wait3A_151 = arith.constant 0 : i32
    %dma_wait3A_152 = tpu.memref_slice %arg4[%mul3A_2, %dma_wait3A_151] : memref<131072x1024xf32, #tpu.memory_space<hbm>> -> memref<32x1024xf32, #tpu.memory_space<hbm>>
    %dma_wait3A_153 = arith.constant 0 : i32
    %dma_wait3A_154 = tpu.memref_slice %arg4[%mul3A_2, %dma_wait3A_153] : memref<131072x1024xf32, #tpu.memory_space<hbm>> -> memref<32x1024xf32, #tpu.memory_space<hbm>>
    %dma_wait3A_155 = arith.constant 0 : i32
    %dma_wait3A_156 = arith.constant 0 : i32
    %dma_wait3A_157 = tpu.memref_slice %arg6[%dma_wait3A_146, %dma_wait3A_155, %dma_wait3A_156] : memref<3x32x1024xf32, #tpu.memory_space<vmem>> -> memref<1x32x1024xf32, #tpu.memory_space<vmem>>
    %dma_wait3A_158 = tpu.memref_squeeze %dma_wait3A_157 : memref<1x32x1024xf32, #tpu.memory_space<vmem>> -> memref<32x1024xf32, #tpu.memory_space<vmem>>
    tpu.wait_dma2 semaphore(%arg11 : memref<!tpu.dma_semaphore, #tpu.memory_space<semaphore_mem>>) src(%dma_wait3A_158 : memref<32x1024xf32, #tpu.memory_space<vmem>>) dst(%dma_wait3A_154 : memref<32x1024xf32, #tpu.memory_space<hbm>>)
    %multiple_of3A_159 = arith.constant 4064 : i32
    %multiple_of3A_160 = tpu.assume_multiple %multiple_of3A_159, 32 : i32
    %dma_start3A_161 = arith.constant 1 : i32
    %dma_start3A_162 = arith.constant 0 : i32
    %dma_start3A_163 = arith.constant 0 : i32
    %dma_start3A_164 = tpu.memref_slice %arg6[%dma_start3A_161, %dma_start3A_162, %dma_start3A_163] : memref<3x32x1024xf32, #tpu.memory_space<vmem>> -> memref<1x32x1024xf32, #tpu.memory_space<vmem>>
    %dma_start3A_165 = tpu.memref_squeeze %dma_start3A_164 : memref<1x32x1024xf32, #tpu.memory_space<vmem>> -> memref<32x1024xf32, #tpu.memory_space<vmem>>
    %dma_start3A_166 = tpu.memref_slice %arg5[%multiple_of3A_160] : memref<4096xi32, #tpu.memory_space<vmem>> -> memref<32xi32, #tpu.memory_space<vmem>>
    %dma_start3A_167 = arith.constant 0 : i32
    %dma_start3A_168 = arith.constant 0 : i32
    %dma_start3A_169 = tpu.memref_slice %arg3[%dma_start3A_167, %dma_start3A_168] : memref<30522x1024xf32, #tpu.memory_space<hbm>> -> memref<30522x1024xf32, #tpu.memory_space<hbm>>
    tpu.enqueue_indirect_dma source(%dma_start3A_169 : memref<30522x1024xf32, #tpu.memory_space<hbm>>) target(%dma_start3A_165 : memref<32x1024xf32, #tpu.memory_space<vmem>>) offsets(%dma_start3A_166 : memref<32xi32, #tpu.memory_space<vmem>>) semaphore(%arg8 : memref<!tpu.dma_semaphore, #tpu.memory_space<semaphore_mem>>)
    %dma_wait3A_170 = arith.constant 0 : i32
    %dma_wait3A_171 = arith.constant 0 : i32
    %dma_wait3A_172 = arith.constant 0 : i32
    %dma_wait3A_173 = tpu.memref_slice %arg6[%dma_wait3A_170, %dma_wait3A_171, %dma_wait3A_172] : memref<3x32x1024xf32, #tpu.memory_space<vmem>> -> memref<1x32x1024xf32, #tpu.memory_space<vmem>>
    %dma_wait3A_174 = tpu.memref_squeeze %dma_wait3A_173 : memref<1x32x1024xf32, #tpu.memory_space<vmem>> -> memref<32x1024xf32, #tpu.memory_space<vmem>>
    %dma_wait3A_175 = arith.constant 0 : i32
    %dma_wait3A_176 = tpu.memref_slice %arg5[%dma_wait3A_175] : memref<4096xi32, #tpu.memory_space<vmem>> -> memref<32xi32, #tpu.memory_space<vmem>>
    %dma_wait3A_177 = arith.constant 0 : i32
    %dma_wait3A_178 = arith.constant 0 : i32
    %dma_wait3A_179 = tpu.memref_slice %arg3[%dma_wait3A_177, %dma_wait3A_178] : memref<30522x1024xf32, #tpu.memory_space<hbm>> -> memref<30522x1024xf32, #tpu.memory_space<hbm>>
    tpu.wait_indirect_dma semaphore(%arg7 : memref<!tpu.dma_semaphore, #tpu.memory_space<semaphore_mem>>) src(%dma_wait3A_179 : memref<30522x1024xf32, #tpu.memory_space<hbm>>) dst(%dma_wait3A_174 : memref<32x1024xf32, #tpu.memory_space<vmem>>)
    %multiple_of3A_180 = arith.constant 4032 : i32
    %multiple_of3A_181 = tpu.assume_multiple %multiple_of3A_180, 32 : i32
    %add3A_182 = arith.addi %mul3A_2, %multiple_of3A_181 : i32
    %dma_start3A_183 = arith.constant 0 : i32
    %dma_start3A_184 = arith.constant 0 : i32
    %dma_start3A_185 = arith.constant 0 : i32
    %dma_start3A_186 = tpu.memref_slice %arg6[%dma_start3A_183, %dma_start3A_184, %dma_start3A_185] : memref<3x32x1024xf32, #tpu.memory_space<vmem>> -> memref<1x32x1024xf32, #tpu.memory_space<vmem>>
    %dma_start3A_187 = tpu.memref_squeeze %dma_start3A_186 : memref<1x32x1024xf32, #tpu.memory_space<vmem>> -> memref<32x1024xf32, #tpu.memory_space<vmem>>
    %dma_start3A_188 = arith.constant 0 : i32
    %dma_start3A_189 = tpu.memref_slice %arg4[%add3A_182, %dma_start3A_188] : memref<131072x1024xf32, #tpu.memory_space<hbm>> -> memref<32x1024xf32, #tpu.memory_space<hbm>>
    %dma_start3A_190 = arith.constant 0 : i32
    %dma_start3A_191 = tpu.memref_slice %arg4[%add3A_182, %dma_start3A_190] : memref<131072x1024xf32, #tpu.memory_space<hbm>> -> memref<32x1024xf32, #tpu.memory_space<hbm>>
    %dma_start3A_192 = arith.constant 0 : i32
    %dma_start3A_193 = arith.constant 0 : i32
    %dma_start3A_194 = tpu.memref_slice %arg6[%dma_start3A_183, %dma_start3A_192, %dma_start3A_193] : memref<3x32x1024xf32, #tpu.memory_space<vmem>> -> memref<1x32x1024xf32, #tpu.memory_space<vmem>>
    %dma_start3A_195 = tpu.memref_squeeze %dma_start3A_194 : memref<1x32x1024xf32, #tpu.memory_space<vmem>> -> memref<32x1024xf32, #tpu.memory_space<vmem>>
    tpu.enqueue_dma source(%dma_start3A_195 : memref<32x1024xf32, #tpu.memory_space<vmem>>) target(%dma_start3A_191 : memref<32x1024xf32, #tpu.memory_space<hbm>>) target_semaphore(%arg10 : memref<!tpu.dma_semaphore, #tpu.memory_space<semaphore_mem>>)
    %dma_wait3A_196 = arith.constant 1 : i32
    %dma_wait3A_197 = arith.constant 0 : i32
    %dma_wait3A_198 = arith.constant 0 : i32
    %dma_wait3A_199 = tpu.memref_slice %arg6[%dma_wait3A_196, %dma_wait3A_197, %dma_wait3A_198] : memref<3x32x1024xf32, #tpu.memory_space<vmem>> -> memref<1x32x1024xf32, #tpu.memory_space<vmem>>
    %dma_wait3A_200 = tpu.memref_squeeze %dma_wait3A_199 : memref<1x32x1024xf32, #tpu.memory_space<vmem>> -> memref<32x1024xf32, #tpu.memory_space<vmem>>
    %dma_wait3A_201 = arith.constant 0 : i32
    %dma_wait3A_202 = tpu.memref_slice %arg5[%dma_wait3A_201] : memref<4096xi32, #tpu.memory_space<vmem>> -> memref<32xi32, #tpu.memory_space<vmem>>
    %dma_wait3A_203 = arith.constant 0 : i32
    %dma_wait3A_204 = arith.constant 0 : i32
    %dma_wait3A_205 = tpu.memref_slice %arg3[%dma_wait3A_203, %dma_wait3A_204] : memref<30522x1024xf32, #tpu.memory_space<hbm>> -> memref<30522x1024xf32, #tpu.memory_space<hbm>>
    tpu.wait_indirect_dma semaphore(%arg8 : memref<!tpu.dma_semaphore, #tpu.memory_space<semaphore_mem>>) src(%dma_wait3A_205 : memref<30522x1024xf32, #tpu.memory_space<hbm>>) dst(%dma_wait3A_200 : memref<32x1024xf32, #tpu.memory_space<vmem>>)
    %multiple_of3A_206 = arith.constant 4064 : i32
    %multiple_of3A_207 = tpu.assume_multiple %multiple_of3A_206, 32 : i32
    %add3A_208 = arith.addi %mul3A_2, %multiple_of3A_207 : i32
    %dma_start3A_209 = arith.constant 1 : i32
    %dma_start3A_210 = arith.constant 0 : i32
    %dma_start3A_211 = arith.constant 0 : i32
    %dma_start3A_212 = tpu.memref_slice %arg6[%dma_start3A_209, %dma_start3A_210, %dma_start3A_211] : memref<3x32x1024xf32, #tpu.memory_space<vmem>> -> memref<1x32x1024xf32, #tpu.memory_space<vmem>>
    %dma_start3A_213 = tpu.memref_squeeze %dma_start3A_212 : memref<1x32x1024xf32, #tpu.memory_space<vmem>> -> memref<32x1024xf32, #tpu.memory_space<vmem>>
    %dma_start3A_214 = arith.constant 0 : i32
    %dma_start3A_215 = tpu.memref_slice %arg4[%add3A_208, %dma_start3A_214] : memref<131072x1024xf32, #tpu.memory_space<hbm>> -> memref<32x1024xf32, #tpu.memory_space<hbm>>
    %dma_start3A_216 = arith.constant 0 : i32
    %dma_start3A_217 = tpu.memref_slice %arg4[%add3A_208, %dma_start3A_216] : memref<131072x1024xf32, #tpu.memory_space<hbm>> -> memref<32x1024xf32, #tpu.memory_space<hbm>>
    %dma_start3A_218 = arith.constant 0 : i32
    %dma_start3A_219 = arith.constant 0 : i32
    %dma_start3A_220 = tpu.memref_slice %arg6[%dma_start3A_209, %dma_start3A_218, %dma_start3A_219] : memref<3x32x1024xf32, #tpu.memory_space<vmem>> -> memref<1x32x1024xf32, #tpu.memory_space<vmem>>
    %dma_start3A_221 = tpu.memref_squeeze %dma_start3A_220 : memref<1x32x1024xf32, #tpu.memory_space<vmem>> -> memref<32x1024xf32, #tpu.memory_space<vmem>>
    tpu.enqueue_dma source(%dma_start3A_221 : memref<32x1024xf32, #tpu.memory_space<vmem>>) target(%dma_start3A_217 : memref<32x1024xf32, #tpu.memory_space<hbm>>) target_semaphore(%arg11 : memref<!tpu.dma_semaphore, #tpu.memory_space<semaphore_mem>>)
    %dma_wait3A_222 = arith.constant 2 : i32
    %dma_wait3A_223 = arith.constant 0 : i32
    %dma_wait3A_224 = arith.constant 0 : i32
    %dma_wait3A_225 = tpu.memref_slice %arg6[%dma_wait3A_222, %dma_wait3A_223, %dma_wait3A_224] : memref<3x32x1024xf32, #tpu.memory_space<vmem>> -> memref<1x32x1024xf32, #tpu.memory_space<vmem>>
    %dma_wait3A_226 = tpu.memref_squeeze %dma_wait3A_225 : memref<1x32x1024xf32, #tpu.memory_space<vmem>> -> memref<32x1024xf32, #tpu.memory_space<vmem>>
    %dma_wait3A_227 = arith.constant 0 : i32
    %dma_wait3A_228 = tpu.memref_slice %arg4[%mul3A_2, %dma_wait3A_227] : memref<131072x1024xf32, #tpu.memory_space<hbm>> -> memref<32x1024xf32, #tpu.memory_space<hbm>>
    %dma_wait3A_229 = arith.constant 0 : i32
    %dma_wait3A_230 = tpu.memref_slice %arg4[%mul3A_2, %dma_wait3A_229] : memref<131072x1024xf32, #tpu.memory_space<hbm>> -> memref<32x1024xf32, #tpu.memory_space<hbm>>
    %dma_wait3A_231 = arith.constant 0 : i32
    %dma_wait3A_232 = arith.constant 0 : i32
    %dma_wait3A_233 = tpu.memref_slice %arg6[%dma_wait3A_222, %dma_wait3A_231, %dma_wait3A_232] : memref<3x32x1024xf32, #tpu.memory_space<vmem>> -> memref<1x32x1024xf32, #tpu.memory_space<vmem>>
    %dma_wait3A_234 = tpu.memref_squeeze %dma_wait3A_233 : memref<1x32x1024xf32, #tpu.memory_space<vmem>> -> memref<32x1024xf32, #tpu.memory_space<vmem>>
    tpu.wait_dma2 semaphore(%arg12 : memref<!tpu.dma_semaphore, #tpu.memory_space<semaphore_mem>>) src(%dma_wait3A_234 : memref<32x1024xf32, #tpu.memory_space<vmem>>) dst(%dma_wait3A_230 : memref<32x1024xf32, #tpu.memory_space<hbm>>)
    %dma_wait3A_235 = arith.constant 0 : i32
    %dma_wait3A_236 = arith.constant 0 : i32
    %dma_wait3A_237 = arith.constant 0 : i32
    %dma_wait3A_238 = tpu.memref_slice %arg6[%dma_wait3A_235, %dma_wait3A_236, %dma_wait3A_237] : memref<3x32x1024xf32, #tpu.memory_space<vmem>> -> memref<1x32x1024xf32, #tpu.memory_space<vmem>>
    %dma_wait3A_239 = tpu.memref_squeeze %dma_wait3A_238 : memref<1x32x1024xf32, #tpu.memory_space<vmem>> -> memref<32x1024xf32, #tpu.memory_space<vmem>>
    %dma_wait3A_240 = arith.constant 0 : i32
    %dma_wait3A_241 = tpu.memref_slice %arg4[%mul3A_2, %dma_wait3A_240] : memref<131072x1024xf32, #tpu.memory_space<hbm>> -> memref<32x1024xf32, #tpu.memory_space<hbm>>
    %dma_wait3A_242 = arith.constant 0 : i32
    %dma_wait3A_243 = tpu.memref_slice %arg4[%mul3A_2, %dma_wait3A_242] : memref<131072x1024xf32, #tpu.memory_space<hbm>> -> memref<32x1024xf32, #tpu.memory_space<hbm>>
    %dma_wait3A_244 = arith.constant 0 : i32
    %dma_wait3A_245 = arith.constant 0 : i32
    %dma_wait3A_246 = tpu.memref_slice %arg6[%dma_wait3A_235, %dma_wait3A_244, %dma_wait3A_245] : memref<3x32x1024xf32, #tpu.memory_space<vmem>> -> memref<1x32x1024xf32, #tpu.memory_space<vmem>>
    %dma_wait3A_247 = tpu.memref_squeeze %dma_wait3A_246 : memref<1x32x1024xf32, #tpu.memory_space<vmem>> -> memref<32x1024xf32, #tpu.memory_space<vmem>>
    tpu.wait_dma2 semaphore(%arg10 : memref<!tpu.dma_semaphore, #tpu.memory_space<semaphore_mem>>) src(%dma_wait3A_247 : memref<32x1024xf32, #tpu.memory_space<vmem>>) dst(%dma_wait3A_243 : memref<32x1024xf32, #tpu.memory_space<hbm>>)
    %dma_wait3A_248 = arith.constant 1 : i32
    %dma_wait3A_249 = arith.constant 0 : i32
    %dma_wait3A_250 = arith.constant 0 : i32
    %dma_wait3A_251 = tpu.memref_slice %arg6[%dma_wait3A_248, %dma_wait3A_249, %dma_wait3A_250] : memref<3x32x1024xf32, #tpu.memory_space<vmem>> -> memref<1x32x1024xf32, #tpu.memory_space<vmem>>
    %dma_wait3A_252 = tpu.memref_squeeze %dma_wait3A_251 : memref<1x32x1024xf32, #tpu.memory_space<vmem>> -> memref<32x1024xf32, #tpu.memory_space<vmem>>
    %dma_wait3A_253 = arith.constant 0 : i32
    %dma_wait3A_254 = tpu.memref_slice %arg4[%mul3A_2, %dma_wait3A_253] : memref<131072x1024xf32, #tpu.memory_space<hbm>> -> memref<32x1024xf32, #tpu.memory_space<hbm>>
    %dma_wait3A_255 = arith.constant 0 : i32
    %dma_wait3A_256 = tpu.memref_slice %arg4[%mul3A_2, %dma_wait3A_255] : memref<131072x1024xf32, #tpu.memory_space<hbm>> -> memref<32x1024xf32, #tpu.memory_space<hbm>>
    %dma_wait3A_257 = arith.constant 0 : i32
    %dma_wait3A_258 = arith.constant 0 : i32
    %dma_wait3A_259 = tpu.memref_slice %arg6[%dma_wait3A_248, %dma_wait3A_257, %dma_wait3A_258] : memref<3x32x1024xf32, #tpu.memory_space<vmem>> -> memref<1x32x1024xf32, #tpu.memory_space<vmem>>
    %dma_wait3A_260 = tpu.memref_squeeze %dma_wait3A_259 : memref<1x32x1024xf32, #tpu.memory_space<vmem>> -> memref<32x1024xf32, #tpu.memory_space<vmem>>
    tpu.wait_dma2 semaphore(%arg11 : memref<!tpu.dma_semaphore, #tpu.memory_space<semaphore_mem>>) src(%dma_wait3A_260 : memref<32x1024xf32, #tpu.memory_space<vmem>>) dst(%dma_wait3A_256 : memref<32x1024xf32, #tpu.memory_space<hbm>>)
    return
  }
}

</mosaic_0001>

<sc_bundles>
// kernel: kernel.3.cloned.1.call-start
scs
__scs_entry_jumppad:
0x0: {  	(pc) =	sbr.rel $0x88, $3  }
0x1: {  	(tag) =	ssettag $0x0;
	lr =	simm.s32 $0x1  }
0x2: {  	[smem:$0x3F9F] =	sst lr;
	_ =	strace $0xD0000000  }
0x3: {  	_ = 	snop  }
0x4: {  	_ = 	snop  }
0x5: {  	_ = 	snop  }
0x6: {  	_ = 	snop  }
0x7: {  	_ = 	snop  }
__scs_overlays_trampoline_lowered:
0x8: {  	[smem:$0x3FAE] =	sst s0  }
0x9: {  	[smem:$0x3FAF] =	sst s1  }
0xa: {  	[smem:$0x3FB0] =	sst s2  }
0xb: {  	[smem:$0x3FB1] =	sst s3  }
0xc: {  	[smem:$0x3FB2] =	sst s4  }
0xd: {  	[smem:$0x3FB3] =	sst s5  }
0xe: {  	[smem:$0x3FB4] =	sst s6  }
0xf: {  	[smem:$0x3FB5] =	sst s7  }
0x10: {  	[smem:$0x3FB6] =	sst s8  }
0x11: {  	[smem:$0x3FB7] =	sst s9;
	s0 =	simm.s32 @!p0 $0x0  }
0x12: {  	s1 =	sld [smem:$0x3F9D];
	s0 =	simm.s32 @p0 $0x1  }
0x13: {  	[smem:$0x3FB8] =	sst s0;
	s0 =	simm.s32 @!p1 $0x0  }
0x14: {  	s2 =	sld [smem:$0x3F9C];
	s0 =	simm.s32 @p1 $0x1  }
0x15: {  	[smem:$0x3FB9] =	sst s0;
	s0 =	simm.s32 @!p2 $0x0  }
0x16: {  	s3 =	sld [smem:$0x3FDB];
	s0 =	simm.s32 @p2 $0x1  }
0x17: {  	s4 =	simm.s32 $0x1BF5;
	[smem:$0x3FBB] =	sst s0  }
0x18: {  	s0 =	sld [smem:$0x3F9E];
	_ =	swait.ge [sflag:s4], $0x0  }
0x19: {  	s7 =	sld [smem:$0x3F9F]  }
0x1a: {  	s8 =	sadd.s32 $0xFFFFE003, lr  }
0x1b: {  	s9 =	sadd.s32 $0xFFFFFEF7, lr;
	s5 =	simm.s32 $0xFFFFFFFF;
	p2 =	slt.u32 s8, $0xFFFFF086  }
0x1c: {  	p1 =	slt.u32 s9, $0xF7A;
	s5 =	simm.s32 @!p2 $0x0  }
0x1d: {  	s5 =	simm.s32 @p1 $0x1;
	p0 =	seq.s32 s7, s2  }
0x1e: {  	s7 =	smul.u32 @!p0 $0xF7A, s2;
	p2 =	seq.s32 @!p0 s5, $0x0  }
0x1f: {  	s9 =	smul.u32 $0xF7A, s1;
	s8 =	simm.s32 @!p0 $0x1BF5;
	p2 =	por !p2, p0  }
0x20: {  	[sflag:s8] =	ssyncset.s32 @!p0 $0xFFFFF086;
	s6 =	sadd.s32 @!p0 s3, s7;
	s7 =	simm.s32 @!p0 $0x108  }
0x21: {  	s3 =	sadd.s32 s3, s9;
	s6 =	sadd.s32 @!p0 $0x88, s6;
	s7 =	simm.s32 @p2 $0x1082  }
0x22: {  	[simem:s7], [sflag:s8] =	dma.local @!p0 [hbm:s6], $0xF7A  }
0x23: {  	s9 =	sor.u32 $0xD0000000, s2;
	s6 =	simm.s32 $0x108;
	_ =	swait.ge @!p0 [sflag:s8], $0x0  }
0x24: {  	s3 =	sadd.s32 $0x88, s3;
	s6 =	simm.s32 @!p1 $0x1082;
	[sflag:s4] =	ssyncset.s32 $0xFFFFF086  }
0x25: {  	[simem:s6], [sflag:s4] =	dma.local [hbm:s3], $0xF7A  }
0x26: {  	[smem:$0x3F9F] =	sst s1;
	(tag) =	ssettag s2;
	_ =	strace s9  }
0x27: {  	s1 =	sld [smem:$0x3FAF]  }
0x28: {  	s2 =	sld [smem:$0x3FB0]  }
0x29: {  	s4 =	sld [smem:$0x3FB2]  }
0x2a: {  	p0 =	seq.s32 s5, $0x0;
	s5 =	sld [smem:$0x3FB3]  }
0x2b: {  	s6 =	sld [smem:$0x3FB4]  }
0x2c: {  	s7 =	sld [smem:$0x3FB5]  }
0x2d: {  	s3 =	simm.s32 $0x108;
	s8 =	sld [smem:$0x3FB6]  }
0x2e: {  	s3 =	simm.s32 @!p0 $0x1082;
	s9 =	sld [smem:$0x3FB7]  }
0x2f: {  	lr =	sadd.s32 s0, s3;
	s0 =	sld [smem:$0x3FAE]  }
0x30: {  	s3 =	sld [smem:$0x3FB1]  }
0x31: {  	[smem:$0x3FBA] =	sst s10  }
0x32: {  	s10 =	sld [smem:$0x3FB8];
	_ =	sdelay $0x3  }
0x33: {  	p0 =	seq.s32 s10, $0x1;
	s10 =	sld [smem:$0x3FBA];
	_ =	sdelay $0x3  }
0x34: {  	[smem:$0x3FBA] =	sst s10  }
0x35: {  	s10 =	sld [smem:$0x3FB9];
	_ =	sdelay $0x3  }
0x36: {  	p1 =	seq.s32 s10, $0x1;
	s10 =	sld [smem:$0x3FBA];
	_ =	sdelay $0x3  }
0x37: {  	[smem:$0x3FBA] =	sst s10  }
0x38: {  	s10 =	sld [smem:$0x3FBB]  }
0x39: {  	_ = 	snop;
	(pc) =	sbr.ind lr, $3  }
0x3a: {  	_ = 	snop  }
0x3b: {  	_ = 	snop  }
0x3c: {  	p2 =	seq.s32 s10, $0x1;
	s10 =	sld [smem:$0x3FBA]  }
0x3d: {  	_ =	shalt  }
0x3e: {  	_ =	shalt  }
0x3f: {  	_ =	shalt  }
0x40: {  	_ =	shalt  }
0x41: {  	_ =	shalt  }
0x42: {  	_ =	shalt  }
0x43: {  	_ =	shalt  }
0x44: {  	_ =	shalt  }
0x45: {  	_ =	shalt  }
0x46: {  	_ =	shalt  }
0x47: {  	_ =	shalt  }
0x48: {  	_ =	shalt  }
0x49: {  	_ =	shalt  }
0x4a: {  	_ =	shalt  }
0x4b: {  	_ =	shalt  }
0x4c: {  	_ =	shalt  }
0x4d: {  	_ =	shalt  }
0x4e: {  	_ =	shalt  }
0x4f: {  	_ =	shalt  }
0x50: {  	_ =	shalt  }
0x51: {  	_ =	shalt  }
0x52: {  	_ =	shalt  }
0x53: {  	_ =	shalt  }
0x54: {  	_ =	shalt  }
0x55: {  	_ =	shalt  }
0x56: {  	_ =	shalt  }
0x57: {  	_ =	shalt  }
0x58: {  	_ =	shalt  }
0x59: {  	_ =	shalt  }
0x5a: {  	_ =	shalt  }
0x5b: {  	_ =	shalt  }
0x5c: {  	_ =	shalt  }
0x5d: {  	_ =	shalt  }
0x5e: {  	_ =	shalt  }
0x5f: {  	_ =	shalt  }
0x60: {  	_ =	shalt  }
0x61: {  	_ =	shalt  }
0x62: {  	_ =	shalt  }
0x63: {  	_ =	shalt  }
0x64: {  	_ =	shalt  }
0x65: {  	_ =	shalt  }
0x66: {  	_ =	shalt  }
0x67: {  	_ =	shalt  }
0x68: {  	_ =	shalt  }
0x69: {  	_ =	shalt  }
0x6a: {  	_ =	shalt  }
0x6b: {  	_ =	shalt  }
0x6c: {  	_ =	shalt  }
0x6d: {  	_ =	shalt  }
0x6e: {  	_ =	shalt  }
0x6f: {  	_ =	shalt  }
0x70: {  	_ =	shalt  }
0x71: {  	_ =	shalt  }
0x72: {  	_ =	shalt  }
0x73: {  	_ =	shalt  }
0x74: {  	_ =	shalt  }
0x75: {  	_ =	shalt  }
0x76: {  	_ =	shalt  }
0x77: {  	_ =	shalt  }
0x78: {  	_ =	shalt  }
0x79: {  	_ =	shalt  }
0x7a: {  	_ =	shalt  }
0x7b: {  	_ =	shalt  }
0x7c: {  	_ =	shalt  }
0x7d: {  	_ =	shalt  }
0x7e: {  	_ =	shalt  }
0x7f: {  	_ =	shalt  }
0x80: {  	_ =	shalt  }
0x81: {  	_ =	shalt  }
0x82: {  	_ =	shalt  }
0x83: {  	_ =	shalt  }
0x84: {  	_ =	shalt  }
0x85: {  	_ =	shalt  }
0x86: {  	_ =	shalt  }
0x87: {  	_ =	shalt  }
.Lfunc_end0:
.L_simem_size_0:
called_computation_lowered:
.L_overlay_start_0:
0x88: {  	s2 =	sld [smem:$0x3FD9]  }
0x89: {  	s3 =	sld [smem:$0x3FFE];
	_ =	sdelay $0x1  }
0x8a: {  	s1 =	srdreg.scid  }
0x8b: {  	s0 =	sand.u32 $0x1, s1  }
0x8c: {  	s17 =	sshll.u32 s0, $0xA;
	s2 =	sadd.s32 s3, s2  }
0x8d: {  	s2 =	sadd.s32 s2, s17  }
0x8e: {  	[smem:$0x3FC6] =	sst s2  }
0x8f: {  	_ = 	snop  }
0x90: {  	s2 =	sld [smem:$0x3FC8]  }
0x91: {  	s18 =	sld [smem:$0x3FD0];
	(tm) =	ssettm $0x1  }
0x92: {  	s4 =	sld [smem:$0x3FFB];
	_ =	sdelay $0x3  }
0x93: {  	_ =	strace s4  }
0x94: {  	s4 =	sld [smem:$0x3FFC];
	_ =	sdelay $0x3  }
0x95: {  	_ =	strace s4  }
0x96: {  	s4 =	sld [smem:$0x3FFD];
	_ =	sdelay $0x3  }
0x97: {  	_ =	strace s4  }
0x98: {  	_ =	strace $0x8FFFFFFF  }
0x99: {  	s19 =	sld [smem:$0x3FDB];
	_ =	sdelay $0x1  }
0x9a: {  	s5 =	simm.s32 $_scs_section_size  }
0x9b: {  	s6 =	simm.s32 $_size__tile_overlayer_lowered;
	s7 =	simm.s32 $_tile_overlayer_lowered  }
0x9c: {  	s22 =	simm.s32 $0x1BFF;
	s21 =	sshll.u32 s7, $0x1;
	s4 =	sadd.s32 s5, s19  }
0x9d: {  	s8 =	simm.s32 $0x0;
	s20 =	sshll.u32 s6, $0x1;
	s6 =	sadd.s32 s21, s4  }
0x9e: {  	[timem:s8], [sflag:s22] =	dma.local [hbm:s6], s20  }
0x9f: {  	_ =	swait.ge [sflag:s22], s20  }
0xa0: {  	s5 =	ssub.s32 $0x0, s20;
	[sflag:s22] =	ssyncset.done $0x0  }
0xa1: {  	[sflag:s22] =	ssyncadd.s32 s5;
	_ =	sdelay $0x1  }
0xa2: {  	s23 =	simm.s32 $0x1B8B  }
0xa3: {  	_ =	swait.ge [sflag:s23], $0x1  }
0xa4: {  	[sflag:s23] =	ssyncset.done $0x0  }
0xa5: {  	s25 =	simm.s32 $0x1B8E;
	s24 =	sld [smem:$0x3FFE];
	[sflag:s23] =	ssyncadd.s32 $0xFFFFFFFF  }
0xa6: {  	s26 =	simm.s32 $execute0_lowered;
	[smem:$0x3FD2] =	sst s25  }
0xa7: {  	s6 =	sshll.u32 s26, $0x1;
	_ =	strace $0x80000046;
	[dreg:$0x1] =	wrdreg $0xFFFFFFFF  }
0xa8: {  	s28 =	simm.s32 $_size_execute0_lowered;
	s4 =	sadd.s32 s4, s6;
	[dreg:$0x0] =	wrdreg $0x0  }
0xa9: {  	s6 =	sshll.u32 s28, $0x1;
	[dreg:$0x2] =	wrdreg s4  }
0xaa: {  	[dreg:$0x3] =	wrdreg s6  }
0xab: {  	[dreg:$0x4] =	wrdreg $0xC0  }
0xac: {  	_ =	task [dreg:s8], $0x5FFFF  }
0xad: {  	[dreg:$0x1] =	wrdreg $0xFFFFFFFF  }
0xae: {  	[dreg:$0x0] =	wrdreg $0x60  }
0xaf: {  	[dreg:$0x2] =	wrdreg s24  }
0xb0: {  	[dreg:$0x3] =	wrdreg s2  }
0xb1: {  	[dreg:$0x4] =	wrdreg s18  }
0xb2: {  	[dreg:$0x5] =	wrdreg $0x9  }
0xb3: {  	_ =	task.clear_ibuf [dreg:s8], $0x6FFFF;
	_ =	strace $0x90000046  }
0xb4: {  	s29 =	simm.s32 $0x9;
	_ =	strace $0x80000048  }
0xb5: {  	_ =	swait.ge [sflag:s29], $0x1  }
0xb6: {  	[sflag:s29] =	ssyncadd.s32 $0xFFFFFFFF  }
0xb7: {  	_ =	strace $0x90000048  }
0xb8: {  	_ =	sfence  }
0xb9: {  	s30 =	sld [smem:$0x0];
	_ =	sdelay $0x2  }
0xba: {  	s31 =	sshll.u32 s1, $0xD;
	s1 =	sshrl.u32 s1, $0x2  }
0xbb: {  	s3 =	sand.u32 $0x4000, s31;
	s1 =	sadd.s32 s1, s30  }
0xbc: {  	s0 =	sor.u32 s3, s0;
	s1 =	sshll.u32 s1, $0x11  }
0xbd: {  	s0 =	sor.u32 s1, s0  }
0xbe: {  	s0 =	sadd.s32 $0x8F2B, s0  }
0xbf: {  	[sflag:s0] =	ssyncadd.remote.s32 $0x1  }
0xc0: {  	_ =	sfence.sel $0xFFFF  }
0xc1: {  	[dreg:$0x0] =	wrdreg $0xFFFFFFFF;
	(pc) =	sbr.abs _section_cstart, $3  }
0xc2: {  	[dreg:$0x1] =	wrdreg $0xFFFFFFFF  }
0xc3: {  	_ =	task.clear_ibuf [dreg:s8], $0x2FFFF;
	_ =	strace $0x9FFFFFFF  }
0xc4: {  	(tm) =	ssettm $0x7FFFFFFF  }
0xc5: {  	_ =	shalt  }
tec
execute0_lowered:
.L_overlay_start_1:
0x0: {  	(tag) =	ssettag $0x1  }
0x1: {  	s0 =	rddreg [dreg:$0x0]  }
0x2: {  	s2 =	rddreg [dreg:$0x1]  }
0x3: {  	s1 =	rddreg [dreg:$0x2]  }
0x4: {  	s3 =	srdreg.scid;
	s9 =	stileid.u32  }
0x5: {  	s16 =	simm.s32 $0x1800;
	s30 =	simm.s32 $0x2000;
	s11 =	simm.s32 $0x1  }
0x6: {  	s12 =	simm.s32 $0x3;
	s13 =	simm.s32 $0x5;
	s28 =	simm.s32 $0x6  }
0x7: {  	s17 =	simm.s32 $0x14000;
	s18 =	simm.s32 $0x14800;
	s19 =	simm.s32 $0x15000  }
0x8: {  	s31 =	simm.s32 $0x17800;
	s15 =	simm.s32 $0x18000;
	s4 =	sand.u32 $0x1, s3  }
0x9: {  	s3 =	simm.s32 $0x0;
	s5 =	sshll.u32 s9, $0xD;
	s9 =	sshll.u32 s9, $0x14  }
0xa: {  	s6 =	sshll.u32 s4, $0xC;
	[smem:$0x7FF] =	sst s3;
	s20 =	ssub.s32 $0x2, s4  }
0xb: {  	s4 =	sshll.u32 s4, $0x13;
	s5 =	sor.u32 s6, s5;
	_ =	strace $0x80000047  }
0xc: {  	s8 =	sshrl.u32 s20, $0x1;
	s6 =	sadd.s32 $0x200, s2;
	s7 =	sshrl.u32 s5, $0x3  }
0xd: {  	s8 =	ssub.s32 s20, s8;
	s21 =	sshll.u32 s5, $0x7;
	s5 =	sadd.s32 $0x100, s2  }
0xe: {  	s20 =	simm.s32 $0x15800;
	s0 =	sadd.s32 s7, s0;
	s22 =	sadd.s32 s21, s1  }
0xf: {  	s7 =	sadd.s32 $0x300, s2;
	s1 =	sadd.s32 s9, s1;
	s26 =	smax.u32 s8, $0x1  }
0x10: {  	s8 =	simm.s32 $0x0;
	s0 =	sadd.s32 $0x400, s0;
	[dreg:$0xb] =	wrdreg s26  }
0x11: {  	s9 =	simm.s32 $0x13000;
	s10 =	sadd.s32 $0x7B000, s22;
	[dreg:$0x5] =	wrdreg s0  }
0x12: {  	s21 =	simm.s32 $0x16000;
	s23 =	sadd.s32 $0x7C000, s22;
	[dreg:$0x6] =	wrdreg s10  }
0x13: {  	s24 =	sadd.s32 $0x7D000, s22;
	s25 =	sadd.s32 $0x7E000, s22;
	[dreg:$0x7] =	wrdreg s23  }
0x14: {  	s29 =	sadd.s32 s4, s1;
	s1 =	simm.s32 $0x9000;
	[dreg:$0x8] =	wrdreg s24  }
0x15: {  	s4 =	simm.s32 $0x11000;
	s26 =	simm.s32 $0x4;
	[dreg:$0x9] =	wrdreg s25  }
0x16: {  	v2 =	vlaneseq.u32;
	s0 =	sadd.s32 $0x7F000, s22;
	[dreg:$0x4] =	wrdreg s29;
	s25 =	simm.s32 $0x2  }
0x17: {  	vm0 =	vmmov $0xffff;
	v1 =	vshrl.u32 v2, $0x3;
	s22 =	simm.s32 $0x9000;
	s10 =	simm.s32 $0x13800;
	s23 =	simm.s32 $0x16800  }
0x18: {  	v0 =	vand.u32 $0x7, v2;
	v2 =	vor.u32 $0x8, v2;
	v1 =	vmul.u32 $0x8, v1;
	s24 =	simm.s32 $0x17000;
	[dreg:$0xa] =	wrdreg s0;
	s0 =	simm.s32 $0x1000  }
.LBB2_1:
0x19: {  	[dreg:$0xc] =	wrdreg s8  }
0x1a: {  	s14 =	rddreg [dreg:$0x5];
	s8 =	simm.s32 $0x7  }
0x1b: {  	[tilespmem:s3], [sflag:$0x7] =	stream.linear.gather [hbm4b:s14+s3], $0x1000, $0x38;
	[tilespmem:$0x19000] =	vst v63  }
0x1c: {  	_ =	swait.ge [sflag:s8], $0x1000  }
0x1d: {  	[sflag:s8] =	ssyncset.done $0x0  }
0x1e: {  	s29 =	simm.s32 $0x40;
	s14 =	simm.s32 $0x0;
	[sflag:s8] =	ssyncadd.s32 $0xFFFFF000  }
.LBB2_2:
0x1f: {  	p0 =	sne.s32 s29, $0x3FC0;
	v3 =	vld [tilespmem:s14+$0x0];
	_ =	sdelay $0x3  }
.Ltmp0:
0x20: {  	(pc) =	sbr.rel @p0 .LBB2_2-.Ltmp0, $4  }
0x21: {  	vm1 =	vgt.s32 v3, $0x0  }
0x22: {  	v3 =	vnsel vm1, $0x0, v3  }
0x23: {  	v3 =	vmin.u32 v3, $0x7739  }
0x24: {  	[tilespmem:s14+$0x0] =	vst v3;
	s14 =	sshra.s32 s29, $0x2;
	s29 =	sadd.s32 $0x40, s29  }
0x25: {  	v3 =	vld [tilespmem:s14+$0x0];
	_ =	sdelay $0x4  }
0x26: {  	vm1 =	vgt.s32 v3, $0x0  }
0x27: {  	v3 =	vnsel vm1, $0x0, v3  }
0x28: {  	v3 =	vmin.u32 v3, $0x7739  }
0x29: {  	[tilespmem:s14+$0x0] =	vst v3  }
0x2a: {  	v3 =	vld [tilespmem:$0x0];
	_ =	sdelay $0x4  }
0x2b: {  	v4 =	vshll.u32 v3, $0x3  }
0x2c: {  	v3 =	vand.u32 $0x7, v3;
	v4 =	vand.u32 $0xFFFFFFC0, v4  }
0x2d: {  	v3 =	vor.u32 v3, v4  }
0x2e: {  	v4 =	vperm.xlane v3, v0;
	_ =	sdelay $0x1  }
0x2f: {  	v4 =	vadd.s32 v1, v4;
	_ =	sdelay $0x3  }
0x30: {  	s14 =	simm.s32 $0x0  }
0x31: {  	[tilespmem:s0], [sflag:$0x1] =	stream.indirect_vreg.gather [hbm4b:s2+s14], $0x80, v4, vm0, $0xb8;
	[tilespmem:$0x19000] =	vst v63  }
0x32: {  	v3 =	vperm.xlane v3, v2  }
0x33: {  	[tilespmem:s16], [sflag:$0x1] =	stream.indirect_vreg.gather [hbm4b:s5+s14], $0x80, v4, vm0, $0xb8;
	[tilespmem:$0x19000] =	vst v63  }
0x34: {  	v3 =	vadd.s32 v1, v3  }
0x35: {  	[tilespmem:s30], [sflag:$0x1] =	stream.indirect_vreg.gather [hbm4b:s6+s14], $0x80, v4, vm0, $0xb8;
	[tilespmem:$0x19000] =	vst v63  }
0x36: {  	s8 =	simm.s32 $0x2800  }
0x37: {  	[tilespmem:s8], [sflag:$0x1] =	stream.indirect_vreg.gather [hbm4b:s7+s14], $0x80, v4, vm0, $0xb8;
	[tilespmem:$0x19000] =	vst v63  }
0x38: {  	s16 =	simm.s32 $0x3000  }
0x39: {  	[tilespmem:s16], [sflag:$0x1] =	stream.indirect_vreg.gather [hbm4b:s2+s14], $0x80, v3, vm0, $0xb8;
	[tilespmem:$0x19000] =	vst v63  }
0x3a: {  	s30 =	simm.s32 $0x3800  }
0x3b: {  	[tilespmem:s30], [sflag:$0x1] =	stream.indirect_vreg.gather [hbm4b:s5+s14], $0x80, v3, vm0, $0xb8;
	[tilespmem:$0x19000] =	vst v63  }
0x3c: {  	s8 =	simm.s32 $0x4000  }
0x3d: {  	[tilespmem:s8], [sflag:$0x1] =	stream.indirect_vreg.gather [hbm4b:s6+s14], $0x80, v3, vm0, $0xb8;
	[tilespmem:$0x19000] =	vst v63  }
0x3e: {  	s16 =	simm.s32 $0x4800  }
0x3f: {  	[tilespmem:s16], [sflag:$0x1] =	stream.indirect_vreg.gather [hbm4b:s7+s14], $0x80, v3, vm0, $0xb8;
	[tilespmem:$0x19000] =	vst v63  }
0x40: {  	v3 =	vld [tilespmem:$0x10];
	_ =	sdelay $0x4  }
0x41: {  	v59 =	vshll.u32 v3, $0x3  }
0x42: {  	v3 =	vand.u32 $0x7, v3;
	v4 =	vand.u32 $0xFFFFFFC0, v59  }
0x43: {  	v3 =	vor.u32 v3, v4  }
0x44: {  	v4 =	vperm.xlane v3, v0;
	_ =	sdelay $0x1  }
0x45: {  	v4 =	vadd.s32 v1, v4;
	_ =	sdelay $0x3  }
0x46: {  	s30 =	simm.s32 $0x5000  }
0x47: {  	[tilespmem:s30], [sflag:$0x1] =	stream.indirect_vreg.gather [hbm4b:s2+s14], $0x80, v4, vm0, $0xb8;
	[tilespmem:$0x19000] =	vst v63  }
0x48: {  	s8 =	simm.s32 $0x5800;
	v3 =	vperm.xlane v3, v2  }
0x49: {  	[tilespmem:s8], [sflag:$0x1] =	stream.indirect_vreg.gather [hbm4b:s5+s14], $0x80, v4, vm0, $0xb8;
	[tilespmem:$0x19000] =	vst v63  }
0x4a: {  	s16 =	simm.s32 $0x6000;
	v3 =	vadd.s32 v1, v3  }
0x4b: {  	[tilespmem:s16], [sflag:$0x1] =	stream.indirect_vreg.gather [hbm4b:s6+s14], $0x80, v4, vm0, $0xb8;
	[tilespmem:$0x19000] =	vst v63  }
0x4c: {  	s30 =	simm.s32 $0x6800  }
0x4d: {  	[tilespmem:s30], [sflag:$0x1] =	stream.indirect_vreg.gather [hbm4b:s7+s14], $0x80, v4, vm0, $0xb8;
	[tilespmem:$0x19000] =	vst v63  }
0x4e: {  	s8 =	simm.s32 $0x7000  }
0x4f: {  	[tilespmem:s8], [sflag:$0x1] =	stream.indirect_vreg.gather [hbm4b:s2+s14], $0x80, v3, vm0, $0xb8;
	[tilespmem:$0x19000] =	vst v63  }
0x50: {  	s16 =	simm.s32 $0x7800  }
0x51: {  	[tilespmem:s16], [sflag:$0x1] =	stream.indirect_vreg.gather [hbm4b:s5+s14], $0x80, v3, vm0, $0xb8;
	[tilespmem:$0x19000] =	vst v63  }
0x52: {  	s30 =	simm.s32 $0x8000  }
0x53: {  	[tilespmem:s30], [sflag:$0x1] =	stream.indirect_vreg.gather [hbm4b:s6+s14], $0x80, v3, vm0, $0xb8;
	[tilespmem:$0x19000] =	vst v63  }
0x54: {  	s8 =	simm.s32 $0x8800  }
0x55: {  	[tilespmem:s8], [sflag:$0x1] =	stream.indirect_vreg.gather [hbm4b:s7+s14], $0x80, v3, vm0, $0xb8;
	[tilespmem:$0x19000] =	vst v63  }
0x56: {  	v3 =	vld [tilespmem:$0x20];
	_ =	sdelay $0x4  }
0x57: {  	v60 =	vshll.u32 v3, $0x3  }
0x58: {  	v3 =	vand.u32 $0x7, v3;
	v4 =	vand.u32 $0xFFFFFFC0, v60  }
0x59: {  	v3 =	vor.u32 v3, v4  }
0x5a: {  	v4 =	vperm.xlane v3, v0;
	_ =	sdelay $0x1  }
0x5b: {  	v4 =	vadd.s32 v1, v4;
	_ =	sdelay $0x4  }
0x5c: {  	[tilespmem:s1], [sflag:$0x2] =	stream.indirect_vreg.gather [hbm4b:s2+s14], $0x80, v4, vm0, $0xb8;
	[tilespmem:$0x19000] =	vst v63  }
0x5d: {  	s16 =	simm.s32 $0x9800;
	v3 =	vperm.xlane v3, v2  }
0x5e: {  	[tilespmem:s16], [sflag:$0x2] =	stream.indirect_vreg.gather [hbm4b:s5+s14], $0x80, v4, vm0, $0xb8;
	[tilespmem:$0x19000] =	vst v63  }
0x5f: {  	s30 =	simm.s32 $0xA000;
	v3 =	vadd.s32 v1, v3  }
0x60: {  	[tilespmem:s30], [sflag:$0x2] =	stream.indirect_vreg.gather [hbm4b:s6+s14], $0x80, v4, vm0, $0xb8;
	[tilespmem:$0x19000] =	vst v63  }
0x61: {  	s1 =	simm.s32 $0xA800  }
0x62: {  	[tilespmem:s1], [sflag:$0x2] =	stream.indirect_vreg.gather [hbm4b:s7+s14], $0x80, v4, vm0, $0xb8;
	[tilespmem:$0x19000] =	vst v63  }
0x63: {  	s8 =	simm.s32 $0xB000  }
0x64: {  	[tilespmem:s8], [sflag:$0x2] =	stream.indirect_vreg.gather [hbm4b:s2+s14], $0x80, v3, vm0, $0xb8;
	[tilespmem:$0x19000] =	vst v63  }
0x65: {  	s16 =	simm.s32 $0xB800  }
0x66: {  	[tilespmem:s16], [sflag:$0x2] =	stream.indirect_vreg.gather [hbm4b:s5+s14], $0x80, v3, vm0, $0xb8;
	[tilespmem:$0x19000] =	vst v63  }
0x67: {  	s30 =	simm.s32 $0xC000  }
0x68: {  	[tilespmem:s30], [sflag:$0x2] =	stream.indirect_vreg.gather [hbm4b:s6+s14], $0x80, v3, vm0, $0xb8;
	[tilespmem:$0x19000] =	vst v63  }
0x69: {  	s1 =	simm.s32 $0xC800  }
0x6a: {  	[tilespmem:s1], [sflag:$0x2] =	stream.indirect_vreg.gather [hbm4b:s7+s14], $0x80, v3, vm0, $0xb8;
	[tilespmem:$0x19000] =	vst v63  }
0x6b: {  	v3 =	vld [tilespmem:$0x30];
	_ =	sdelay $0x4  }
0x6c: {  	v61 =	vshll.u32 v3, $0x3  }
0x6d: {  	v3 =	vand.u32 $0x7, v3;
	v4 =	vand.u32 $0xFFFFFFC0, v61  }
0x6e: {  	v3 =	vor.u32 v3, v4  }
0x6f: {  	v4 =	vperm.xlane v3, v0;
	_ =	sdelay $0x1  }
0x70: {  	v4 =	vadd.s32 v1, v4;
	_ =	sdelay $0x3  }
0x71: {  	s8 =	simm.s32 $0xD000  }
0x72: {  	[tilespmem:s8], [sflag:$0x2] =	stream.indirect_vreg.gather [hbm4b:s2+s14], $0x80, v4, vm0, $0xb8;
	[tilespmem:$0x19000] =	vst v63  }
0x73: {  	s16 =	simm.s32 $0xD800;
	v3 =	vperm.xlane v3, v2  }
0x74: {  	[tilespmem:s16], [sflag:$0x2] =	stream.indirect_vreg.gather [hbm4b:s5+s14], $0x80, v4, vm0, $0xb8;
	[tilespmem:$0x19000] =	vst v63  }
0x75: {  	s30 =	simm.s32 $0xE000;
	v3 =	vadd.s32 v1, v3  }
0x76: {  	[tilespmem:s30], [sflag:$0x2] =	stream.indirect_vreg.gather [hbm4b:s6+s14], $0x80, v4, vm0, $0xb8;
	[tilespmem:$0x19000] =	vst v63  }
0x77: {  	s1 =	simm.s32 $0xE800  }
0x78: {  	[tilespmem:s1], [sflag:$0x2] =	stream.indirect_vreg.gather [hbm4b:s7+s14], $0x80, v4, vm0, $0xb8;
	[tilespmem:$0x19000] =	vst v63  }
0x79: {  	s8 =	simm.s32 $0xF000  }
0x7a: {  	[tilespmem:s8], [sflag:$0x2] =	stream.indirect_vreg.gather [hbm4b:s2+s14], $0x80, v3, vm0, $0xb8;
	[tilespmem:$0x19000] =	vst v63  }
0x7b: {  	s16 =	simm.s32 $0xF800  }
0x7c: {  	[tilespmem:s16], [sflag:$0x2] =	stream.indirect_vreg.gather [hbm4b:s5+s14], $0x80, v3, vm0, $0xb8;
	[tilespmem:$0x19000] =	vst v63  }
0x7d: {  	s30 =	simm.s32 $0x10000  }
0x7e: {  	[tilespmem:s30], [sflag:$0x2] =	stream.indirect_vreg.gather [hbm4b:s6+s14], $0x80, v3, vm0, $0xb8;
	[tilespmem:$0x19000] =	vst v63  }
0x7f: {  	s1 =	simm.s32 $0x10800  }
0x80: {  	[tilespmem:s1], [sflag:$0x2] =	stream.indirect_vreg.gather [hbm4b:s7+s14], $0x80, v3, vm0, $0xb8;
	[tilespmem:$0x19000] =	vst v63  }
0x81: {  	v3 =	vld [tilespmem:$0x40];
	_ =	sdelay $0x4  }
0x82: {  	v62 =	vshll.u32 v3, $0x3  }
0x83: {  	v3 =	vand.u32 $0x7, v3;
	v4 =	vand.u32 $0xFFFFFFC0, v62  }
0x84: {  	v3 =	vor.u32 v3, v4  }
0x85: {  	v4 =	vperm.xlane v3, v0;
	_ =	sdelay $0x1  }
0x86: {  	v4 =	vadd.s32 v1, v4;
	_ =	sdelay $0x4  }
0x87: {  	[tilespmem:s4], [sflag:$0x3] =	stream.indirect_vreg.gather [hbm4b:s2+s14], $0x80, v4, vm0, $0xb8;
	[tilespmem:$0x19000] =	vst v63  }
0x88: {  	s8 =	simm.s32 $0x11800;
	v3 =	vperm.xlane v3, v2  }
0x89: {  	[tilespmem:s8], [sflag:$0x3] =	stream.indirect_vreg.gather [hbm4b:s5+s14], $0x80, v4, vm0, $0xb8;
	[tilespmem:$0x19000] =	vst v63  }
0x8a: {  	s16 =	simm.s32 $0x12000;
	v3 =	vadd.s32 v1, v3  }
0x8b: {  	[tilespmem:s16], [sflag:$0x3] =	stream.indirect_vreg.gather [hbm4b:s6+s14], $0x80, v4, vm0, $0xb8;
	[tilespmem:$0x19000] =	vst v63  }
0x8c: {  	s30 =	simm.s32 $0x12800  }
0x8d: {  	[tilespmem:s30], [sflag:$0x3] =	stream.indirect_vreg.gather [hbm4b:s7+s14], $0x80, v4, vm0, $0xb8;
	[tilespmem:$0x19000] =	vst v63  }
0x8e: {  	_ = 	snop  }
0x8f: {  	[tilespmem:s9], [sflag:$0x3] =	stream.indirect_vreg.gather [hbm4b:s2+s14], $0x80, v3, vm0, $0xb8;
	[tilespmem:$0x19000] =	vst v63  }
0x90: {  	_ = 	snop  }
0x91: {  	[tilespmem:s10], [sflag:$0x3] =	stream.indirect_vreg.gather [hbm4b:s5+s14], $0x80, v3, vm0, $0xb8;
	[tilespmem:$0x19000] =	vst v63  }
0x92: {  	_ = 	snop  }
0x93: {  	[tilespmem:s17], [sflag:$0x3] =	stream.indirect_vreg.gather [hbm4b:s6+s14], $0x80, v3, vm0, $0xb8;
	[tilespmem:$0x19000] =	vst v63  }
0x94: {  	_ = 	snop  }
0x95: {  	[tilespmem:s18], [sflag:$0x3] =	stream.indirect_vreg.gather [hbm4b:s7+s14], $0x80, v3, vm0, $0xb8;
	[tilespmem:$0x19000] =	vst v63  }
0x96: {  	v3 =	vld [tilespmem:$0x50];
	_ =	sdelay $0x4  }
0x97: {  	v63 =	vshll.u32 v3, $0x3  }
0x98: {  	v3 =	vand.u32 $0x7, v3;
	v4 =	vand.u32 $0xFFFFFFC0, v63  }
0x99: {  	v3 =	vor.u32 v3, v4  }
0x9a: {  	v4 =	vperm.xlane v3, v0;
	_ =	sdelay $0x1  }
0x9b: {  	v4 =	vadd.s32 v1, v4;
	_ =	sdelay $0x4  }
0x9c: {  	[tilespmem:s19], [sflag:$0x3] =	stream.indirect_vreg.gather [hbm4b:s2+s14], $0x80, v4, vm0, $0xb8;
	[tilespmem:$0x19000] =	vst v63  }
0x9d: {  	v3 =	vperm.xlane v3, v2  }
0x9e: {  	[tilespmem:s20], [sflag:$0x3] =	stream.indirect_vreg.gather [hbm4b:s5+s14], $0x80, v4, vm0, $0xb8;
	[tilespmem:$0x19000] =	vst v63  }
0x9f: {  	v3 =	vadd.s32 v1, v3  }
0xa0: {  	[tilespmem:s21], [sflag:$0x3] =	stream.indirect_vreg.gather [hbm4b:s6+s14], $0x80, v4, vm0, $0xb8;
	[tilespmem:$0x19000] =	vst v63  }
0xa1: {  	_ = 	snop  }
0xa2: {  	[tilespmem:s23], [sflag:$0x3] =	stream.indirect_vreg.gather [hbm4b:s7+s14], $0x80, v4, vm0, $0xb8;
	[tilespmem:$0x19000] =	vst v63  }
0xa3: {  	_ = 	snop  }
0xa4: {  	[tilespmem:s24], [sflag:$0x3] =	stream.indirect_vreg.gather [hbm4b:s2+s14], $0x80, v3, vm0, $0xb8;
	[tilespmem:$0x19000] =	vst v63  }
0xa5: {  	_ = 	snop  }
0xa6: {  	[tilespmem:s31], [sflag:$0x3] =	stream.indirect_vreg.gather [hbm4b:s5+s14], $0x80, v3, vm0, $0xb8;
	[tilespmem:$0x19000] =	vst v63  }
0xa7: {  	s29 =	simm.s32 $0xB0  }
0xa8: {  	[tilespmem:s15], [sflag:$0x3] =	stream.indirect_vreg.gather [hbm4b:s6+s14], $0x80, v3, vm0, $0xb8;
	[tilespmem:$0x19000] =	vst v63  }
0xa9: {  	s0 =	simm.s32 $0x1000;
	s1 =	simm.s32 $0x11000;
	s4 =	simm.s32 $0x18800  }
0xaa: {  	[tilespmem:s4], [sflag:$0x3] =	stream.indirect_vreg.gather [hbm4b:s7+s14], $0x80, v3, vm0, $0xb8;
	[tilespmem:$0x19000] =	vst v63  }
.LBB2_4:
0xab: {  	_ =	swait.ge [sflag:s11], $0x8000  }
0xac: {  	s16 =	rddreg [dreg:$0x4];
	[sflag:s11] =	ssyncset.done $0x0  }
0xad: {  	[sflag:s11] =	ssyncadd.s32 $0xFFFF8000;
	s16 =	sadd.s32 s14, s16  }
0xae: {  	[hbm4b:s16+s3] =	stream.linear.scatter [tilespmem:s0], [sflag:$0x4], $0x8000, $0x38;
	[tilespmem:$0x19000] =	vst v63  }
0xaf: {  	_ =	swait.ge [sflag:s25], $0x8000  }
0xb0: {  	[sflag:s25] =	ssyncset.done $0x0  }
0xb1: {  	s30 =	sadd.s32 $0x1000, s16;
	[sflag:s25] =	ssyncadd.s32 $0xFFFF8000  }
0xb2: {  	[hbm4b:s30+s3] =	stream.linear.scatter [tilespmem:s22], [sflag:$0x5], $0x8000, $0x38;
	[tilespmem:$0x19000] =	vst v63  }
0xb3: {  	_ =	swait.ge [sflag:s12], $0x8000  }
0xb4: {  	[sflag:s12] =	ssyncset.done $0x0  }
0xb5: {  	s16 =	sadd.s32 $0x2000, s16;
	[sflag:s12] =	ssyncadd.s32 $0xFFFF8000  }
0xb6: {  	[hbm4b:s16+s3] =	stream.linear.scatter [tilespmem:s1], [sflag:$0x6], $0x8000, $0x38;
	[tilespmem:$0x19000] =	vst v63  }
0xb7: {  	_ =	swait.ge [sflag:s26], $0x8000  }
0xb8: {  	[sflag:s26] =	ssyncset.done $0x0  }
0xb9: {  	[sflag:s26] =	ssyncadd.s32 $0xFFFF8000  }
0xba: {  	v3 =	vld [tilespmem:s29+$0xFFFFFFB0];
	_ =	sdelay $0x4  }
0xbb: {  	v4 =	vshll.u32 v3, $0x3  }
0xbc: {  	v3 =	vand.u32 $0x7, v3;
	v4 =	vand.u32 $0xFFFFFFC0, v4  }
0xbd: {  	v3 =	vor.u32 v3, v4  }
0xbe: {  	v4 =	vperm.xlane v3, v0;
	_ =	sdelay $0x1  }
0xbf: {  	v4 =	vadd.s32 v1, v4;
	_ =	sdelay $0x4  }
0xc0: {  	[tilespmem:s0], [sflag:$0x1] =	stream.indirect_vreg.gather [hbm4b:s2+s3], $0x80, v4, vm0, $0xb8;
	[tilespmem:$0x19000] =	vst v63  }
0xc1: {  	s16 =	simm.s32 $0x1800;
	v3 =	vperm.xlane v3, v2  }
0xc2: {  	[tilespmem:s16], [sflag:$0x1] =	stream.indirect_vreg.gather [hbm4b:s5+s3], $0x80, v4, vm0, $0xb8;
	[tilespmem:$0x19000] =	vst v63  }
0xc3: {  	s30 =	simm.s32 $0x2000;
	v3 =	vadd.s32 v1, v3  }
0xc4: {  	[tilespmem:s30], [sflag:$0x1] =	stream.indirect_vreg.gather [hbm4b:s6+s3], $0x80, v4, vm0, $0xb8;
	[tilespmem:$0x19000] =	vst v63  }
0xc5: {  	s8 =	simm.s32 $0x2800  }
0xc6: {  	[tilespmem:s8], [sflag:$0x1] =	stream.indirect_vreg.gather [hbm4b:s7+s3], $0x80, v4, vm0, $0xb8;
	[tilespmem:$0x19000] =	vst v63  }
0xc7: {  	s8 =	simm.s32 $0x3000  }
0xc8: {  	[tilespmem:s8], [sflag:$0x1] =	stream.indirect_vreg.gather [hbm4b:s2+s3], $0x80, v3, vm0, $0xb8;
	[tilespmem:$0x19000] =	vst v63  }
0xc9: {  	s8 =	simm.s32 $0x3800  }
0xca: {  	[tilespmem:s8], [sflag:$0x1] =	stream.indirect_vreg.gather [hbm4b:s5+s3], $0x80, v3, vm0, $0xb8;
	[tilespmem:$0x19000] =	vst v63  }
0xcb: {  	s8 =	simm.s32 $0x4000  }
0xcc: {  	[tilespmem:s8], [sflag:$0x1] =	stream.indirect_vreg.gather [hbm4b:s6+s3], $0x80, v3, vm0, $0xb8;
	[tilespmem:$0x19000] =	vst v63  }
0xcd: {  	s8 =	simm.s32 $0x4800  }
0xce: {  	[tilespmem:s8], [sflag:$0x1] =	stream.indirect_vreg.gather [hbm4b:s7+s3], $0x80, v3, vm0, $0xb8;
	[tilespmem:$0x19000] =	vst v63  }
0xcf: {  	v3 =	vld [tilespmem:s29+$0xFFFFFFC0];
	_ =	sdelay $0x4  }
0xd0: {  	v59 =	vshll.u32 v3, $0x3  }
0xd1: {  	v3 =	vand.u32 $0x7, v3;
	v4 =	vand.u32 $0xFFFFFFC0, v59  }
0xd2: {  	v3 =	vor.u32 v3, v4  }
0xd3: {  	v4 =	vperm.xlane v3, v0;
	_ =	sdelay $0x1  }
0xd4: {  	v4 =	vadd.s32 v1, v4;
	_ =	sdelay $0x3  }
0xd5: {  	s8 =	simm.s32 $0x5000  }
0xd6: {  	[tilespmem:s8], [sflag:$0x1] =	stream.indirect_vreg.gather [hbm4b:s2+s3], $0x80, v4, vm0, $0xb8;
	[tilespmem:$0x19000] =	vst v63  }
0xd7: {  	v3 =	vperm.xlane v3, v2;
	s8 =	simm.s32 $0x5800  }
0xd8: {  	[tilespmem:s8], [sflag:$0x1] =	stream.indirect_vreg.gather [hbm4b:s5+s3], $0x80, v4, vm0, $0xb8;
	[tilespmem:$0x19000] =	vst v63  }
0xd9: {  	v3 =	vadd.s32 v1, v3;
	s8 =	simm.s32 $0x6000  }
0xda: {  	[tilespmem:s8], [sflag:$0x1] =	stream.indirect_vreg.gather [hbm4b:s6+s3], $0x80, v4, vm0, $0xb8;
	[tilespmem:$0x19000] =	vst v63  }
0xdb: {  	s8 =	simm.s32 $0x6800  }
0xdc: {  	[tilespmem:s8], [sflag:$0x1] =	stream.indirect_vreg.gather [hbm4b:s7+s3], $0x80, v4, vm0, $0xb8;
	[tilespmem:$0x19000] =	vst v63  }
0xdd: {  	s8 =	simm.s32 $0x7000  }
0xde: {  	[tilespmem:s8], [sflag:$0x1] =	stream.indirect_vreg.gather [hbm4b:s2+s3], $0x80, v3, vm0, $0xb8;
	[tilespmem:$0x19000] =	vst v63  }
0xdf: {  	s8 =	simm.s32 $0x7800  }
0xe0: {  	[tilespmem:s8], [sflag:$0x1] =	stream.indirect_vreg.gather [hbm4b:s5+s3], $0x80, v3, vm0, $0xb8;
	[tilespmem:$0x19000] =	vst v63  }
0xe1: {  	s8 =	simm.s32 $0x8000  }
0xe2: {  	[tilespmem:s8], [sflag:$0x1] =	stream.indirect_vreg.gather [hbm4b:s6+s3], $0x80, v3, vm0, $0xb8;
	[tilespmem:$0x19000] =	vst v63  }
0xe3: {  	s8 =	simm.s32 $0x8800  }
0xe4: {  	[tilespmem:s8], [sflag:$0x1] =	stream.indirect_vreg.gather [hbm4b:s7+s3], $0x80, v3, vm0, $0xb8;
	[tilespmem:$0x19000] =	vst v63  }
0xe5: {  	_ =	swait.ge [sflag:s13], $0x8000  }
0xe6: {  	[sflag:s13] =	ssyncset.done $0x0  }
0xe7: {  	[sflag:s13] =	ssyncadd.s32 $0xFFFF8000  }
0xe8: {  	v3 =	vld [tilespmem:s29+$0xFFFFFFD0];
	_ =	sdelay $0x4  }
0xe9: {  	v60 =	vshll.u32 v3, $0x3  }
0xea: {  	v3 =	vand.u32 $0x7, v3;
	v4 =	vand.u32 $0xFFFFFFC0, v60  }
0xeb: {  	v3 =	vor.u32 v3, v4  }
0xec: {  	v4 =	vperm.xlane v3, v0;
	_ =	sdelay $0x1  }
0xed: {  	v4 =	vadd.s32 v1, v4;
	_ =	sdelay $0x4  }
0xee: {  	[tilespmem:s22], [sflag:$0x2] =	stream.indirect_vreg.gather [hbm4b:s2+s3], $0x80, v4, vm0, $0xb8;
	[tilespmem:$0x19000] =	vst v63  }
0xef: {  	s8 =	simm.s32 $0x9800;
	v3 =	vperm.xlane v3, v2  }
0xf0: {  	[tilespmem:s8], [sflag:$0x2] =	stream.indirect_vreg.gather [hbm4b:s5+s3], $0x80, v4, vm0, $0xb8;
	[tilespmem:$0x19000] =	vst v63  }
0xf1: {  	v3 =	vadd.s32 v1, v3;
	s8 =	simm.s32 $0xA000  }
0xf2: {  	[tilespmem:s8], [sflag:$0x2] =	stream.indirect_vreg.gather [hbm4b:s6+s3], $0x80, v4, vm0, $0xb8;
	[tilespmem:$0x19000] =	vst v63  }
0xf3: {  	s8 =	simm.s32 $0xA800  }
0xf4: {  	[tilespmem:s8], [sflag:$0x2] =	stream.indirect_vreg.gather [hbm4b:s7+s3], $0x80, v4, vm0, $0xb8;
	[tilespmem:$0x19000] =	vst v63  }
0xf5: {  	s8 =	simm.s32 $0xB000  }
0xf6: {  	[tilespmem:s8], [sflag:$0x2] =	stream.indirect_vreg.gather [hbm4b:s2+s3], $0x80, v3, vm0, $0xb8;
	[tilespmem:$0x19000] =	vst v63  }
0xf7: {  	s8 =	simm.s32 $0xB800  }
0xf8: {  	[tilespmem:s8], [sflag:$0x2] =	stream.indirect_vreg.gather [hbm4b:s5+s3], $0x80, v3, vm0, $0xb8;
	[tilespmem:$0x19000] =	vst v63  }
0xf9: {  	s8 =	simm.s32 $0xC000  }
0xfa: {  	[tilespmem:s8], [sflag:$0x2] =	stream.indirect_vreg.gather [hbm4b:s6+s3], $0x80, v3, vm0, $0xb8;
	[tilespmem:$0x19000] =	vst v63  }
0xfb: {  	s8 =	simm.s32 $0xC800  }
0xfc: {  	[tilespmem:s8], [sflag:$0x2] =	stream.indirect_vreg.gather [hbm4b:s7+s3], $0x80, v3, vm0, $0xb8;
	[tilespmem:$0x19000] =	vst v63  }
0xfd: {  	v3 =	vld [tilespmem:s29+$0xFFFFFFE0];
	_ =	sdelay $0x4  }
0xfe: {  	v61 =	vshll.u32 v3, $0x3  }
0xff: {  	v3 =	vand.u32 $0x7, v3;
	v4 =	vand.u32 $0xFFFFFFC0, v61  }
0x100: {  	v3 =	vor.u32 v3, v4  }
0x101: {  	v4 =	vperm.xlane v3, v0;
	_ =	sdelay $0x1  }
0x102: {  	v4 =	vadd.s32 v1, v4;
	_ =	sdelay $0x3  }
0x103: {  	s8 =	simm.s32 $0xD000  }
0x104: {  	[tilespmem:s8], [sflag:$0x2] =	stream.indirect_vreg.gather [hbm4b:s2+s3], $0x80, v4, vm0, $0xb8;
	[tilespmem:$0x19000] =	vst v63  }
0x105: {  	v3 =	vperm.xlane v3, v2;
	s8 =	simm.s32 $0xD800  }
0x106: {  	[tilespmem:s8], [sflag:$0x2] =	stream.indirect_vreg.gather [hbm4b:s5+s3], $0x80, v4, vm0, $0xb8;
	[tilespmem:$0x19000] =	vst v63  }
0x107: {  	v3 =	vadd.s32 v1, v3;
	s8 =	simm.s32 $0xE000  }
0x108: {  	[tilespmem:s8], [sflag:$0x2] =	stream.indirect_vreg.gather [hbm4b:s6+s3], $0x80, v4, vm0, $0xb8;
	[tilespmem:$0x19000] =	vst v63  }
0x109: {  	s8 =	simm.s32 $0xE800  }
0x10a: {  	[tilespmem:s8], [sflag:$0x2] =	stream.indirect_vreg.gather [hbm4b:s7+s3], $0x80, v4, vm0, $0xb8;
	[tilespmem:$0x19000] =	vst v63  }
0x10b: {  	s8 =	simm.s32 $0xF000  }
0x10c: {  	[tilespmem:s8], [sflag:$0x2] =	stream.indirect_vreg.gather [hbm4b:s2+s3], $0x80, v3, vm0, $0xb8;
	[tilespmem:$0x19000] =	vst v63  }
0x10d: {  	s8 =	simm.s32 $0xF800  }
0x10e: {  	[tilespmem:s8], [sflag:$0x2] =	stream.indirect_vreg.gather [hbm4b:s5+s3], $0x80, v3, vm0, $0xb8;
	[tilespmem:$0x19000] =	vst v63  }
0x10f: {  	s8 =	simm.s32 $0x10000  }
0x110: {  	[tilespmem:s8], [sflag:$0x2] =	stream.indirect_vreg.gather [hbm4b:s6+s3], $0x80, v3, vm0, $0xb8;
	[tilespmem:$0x19000] =	vst v63  }
0x111: {  	s8 =	simm.s32 $0x10800  }
0x112: {  	[tilespmem:s8], [sflag:$0x2] =	stream.indirect_vreg.gather [hbm4b:s7+s3], $0x80, v3, vm0, $0xb8;
	[tilespmem:$0x19000] =	vst v63  }
0x113: {  	_ =	swait.ge [sflag:s28], $0x8000  }
0x114: {  	[sflag:s28] =	ssyncset.done $0x0  }
0x115: {  	[sflag:s28] =	ssyncadd.s32 $0xFFFF8000  }
0x116: {  	v3 =	vld [tilespmem:s29+$0xFFFFFFF0];
	_ =	sdelay $0x4  }
0x117: {  	v62 =	vshll.u32 v3, $0x3  }
0x118: {  	v3 =	vand.u32 $0x7, v3;
	v4 =	vand.u32 $0xFFFFFFC0, v62  }
0x119: {  	v3 =	vor.u32 v3, v4  }
0x11a: {  	v4 =	vperm.xlane v3, v0;
	_ =	sdelay $0x1  }
0x11b: {  	v4 =	vadd.s32 v1, v4;
	_ =	sdelay $0x4  }
0x11c: {  	[tilespmem:s1], [sflag:$0x3] =	stream.indirect_vreg.gather [hbm4b:s2+s3], $0x80, v4, vm0, $0xb8;
	[tilespmem:$0x19000] =	vst v63  }
0x11d: {  	s8 =	simm.s32 $0x11800;
	v3 =	vperm.xlane v3, v2  }
0x11e: {  	[tilespmem:s8], [sflag:$0x3] =	stream.indirect_vreg.gather [hbm4b:s5+s3], $0x80, v4, vm0, $0xb8;
	[tilespmem:$0x19000] =	vst v63  }
0x11f: {  	v3 =	vadd.s32 v1, v3;
	s8 =	simm.s32 $0x12000  }
0x120: {  	[tilespmem:s8], [sflag:$0x3] =	stream.indirect_vreg.gather [hbm4b:s6+s3], $0x80, v4, vm0, $0xb8;
	[tilespmem:$0x19000] =	vst v63  }
0x121: {  	s8 =	simm.s32 $0x12800  }
0x122: {  	[tilespmem:s8], [sflag:$0x3] =	stream.indirect_vreg.gather [hbm4b:s7+s3], $0x80, v4, vm0, $0xb8;
	[tilespmem:$0x19000] =	vst v63  }
0x123: {  	_ = 	snop  }
0x124: {  	[tilespmem:s9], [sflag:$0x3] =	stream.indirect_vreg.gather [hbm4b:s2+s3], $0x80, v3, vm0, $0xb8;
	[tilespmem:$0x19000] =	vst v63  }
0x125: {  	_ = 	snop  }
0x126: {  	[tilespmem:s10], [sflag:$0x3] =	stream.indirect_vreg.gather [hbm4b:s5+s3], $0x80, v3, vm0, $0xb8;
	[tilespmem:$0x19000] =	vst v63  }
0x127: {  	_ = 	snop  }
0x128: {  	[tilespmem:s17], [sflag:$0x3] =	stream.indirect_vreg.gather [hbm4b:s6+s3], $0x80, v3, vm0, $0xb8;
	[tilespmem:$0x19000] =	vst v63  }
0x129: {  	_ = 	snop  }
0x12a: {  	[tilespmem:s18], [sflag:$0x3] =	stream.indirect_vreg.gather [hbm4b:s7+s3], $0x80, v3, vm0, $0xb8;
	[tilespmem:$0x19000] =	vst v63  }
0x12b: {  	v3 =	vld [tilespmem:s29+$0x0];
	_ =	sdelay $0x4  }
0x12c: {  	v63 =	vshll.u32 v3, $0x3  }
0x12d: {  	v3 =	vand.u32 $0x7, v3;
	v4 =	vand.u32 $0xFFFFFFC0, v63  }
0x12e: {  	v3 =	vor.u32 v3, v4  }
0x12f: {  	v4 =	vperm.xlane v3, v0;
	_ =	sdelay $0x1  }
0x130: {  	v4 =	vadd.s32 v1, v4;
	_ =	sdelay $0x4  }
0x131: {  	[tilespmem:s19], [sflag:$0x3] =	stream.indirect_vreg.gather [hbm4b:s2+s3], $0x80, v4, vm0, $0xb8;
	[tilespmem:$0x19000] =	vst v63  }
0x132: {  	v3 =	vperm.xlane v3, v2  }
0x133: {  	[tilespmem:s20], [sflag:$0x3] =	stream.indirect_vreg.gather [hbm4b:s5+s3], $0x80, v4, vm0, $0xb8;
	[tilespmem:$0x19000] =	vst v63  }
0x134: {  	v3 =	vadd.s32 v1, v3  }
0x135: {  	[tilespmem:s21], [sflag:$0x3] =	stream.indirect_vreg.gather [hbm4b:s6+s3], $0x80, v4, vm0, $0xb8;
	[tilespmem:$0x19000] =	vst v63  }
0x136: {  	_ = 	snop  }
0x137: {  	[tilespmem:s23], [sflag:$0x3] =	stream.indirect_vreg.gather [hbm4b:s7+s3], $0x80, v4, vm0, $0xb8;
	[tilespmem:$0x19000] =	vst v63  }
0x138: {  	_ = 	snop  }
0x139: {  	[tilespmem:s24], [sflag:$0x3] =	stream.indirect_vreg.gather [hbm4b:s2+s3], $0x80, v3, vm0, $0xb8;
	[tilespmem:$0x19000] =	vst v63  }
0x13a: {  	p0 =	sne.s32 s14, $0x78000  }
0x13b: {  	[tilespmem:s31], [sflag:$0x3] =	stream.indirect_vreg.gather [hbm4b:s5+s3], $0x80, v3, vm0, $0xb8;
	[tilespmem:$0x19000] =	vst v63  }
.Ltmp1:
0x13c: {  	_ = 	snop;
	(pc) =	sbr.rel @p0 .LBB2_4-.Ltmp1, $4  }
0x13d: {  	_ = 	snop  }
0x13e: {  	[tilespmem:s15], [sflag:$0x3] =	stream.indirect_vreg.gather [hbm4b:s6+s3], $0x80, v3, vm0, $0xb8;
	[tilespmem:$0x19000] =	vst v63  }
0x13f: {  	s14 =	sadd.s32 $0x3000, s14;
	s29 =	sadd.s32 $0x60, s29  }
0x140: {  	[tilespmem:s4], [sflag:$0x3] =	stream.indirect_vreg.gather [hbm4b:s7+s3], $0x80, v3, vm0, $0xb8;
	[tilespmem:$0x19000] =	vst v63  }
0x141: {  	_ =	swait.ge [sflag:s11], $0x8000  }
0x142: {  	[sflag:s11] =	ssyncset.done $0x0  }
0x143: {  	s14 =	rddreg [dreg:$0x6];
	[sflag:s11] =	ssyncadd.s32 $0xFFFF8000  }
0x144: {  	[hbm4b:s14+s3] =	stream.linear.scatter [tilespmem:s0], [sflag:$0x4], $0x8000, $0x38;
	[tilespmem:$0x19000] =	vst v63  }
0x145: {  	_ =	swait.ge [sflag:s25], $0x8000  }
0x146: {  	[sflag:s25] =	ssyncset.done $0x0  }
0x147: {  	s8 =	rddreg [dreg:$0x7];
	[sflag:s25] =	ssyncadd.s32 $0xFFFF8000  }
0x148: {  	[hbm4b:s8+s3] =	stream.linear.scatter [tilespmem:s22], [sflag:$0x5], $0x8000, $0x38;
	[tilespmem:$0x19000] =	vst v63  }
0x149: {  	_ =	swait.ge [sflag:s12], $0x8000  }
0x14a: {  	[sflag:s12] =	ssyncset.done $0x0  }
0x14b: {  	s29 =	rddreg [dreg:$0x8];
	[sflag:s12] =	ssyncadd.s32 $0xFFFF8000  }
0x14c: {  	[hbm4b:s29+s3] =	stream.linear.scatter [tilespmem:s1], [sflag:$0x6], $0x8000, $0x38;
	[tilespmem:$0x19000] =	vst v63  }
0x14d: {  	_ =	swait.ge [sflag:s26], $0x8000  }
0x14e: {  	[sflag:s26] =	ssyncset.done $0x0  }
0x14f: {  	[sflag:s26] =	ssyncadd.s32 $0xFFFF8000  }
0x150: {  	v3 =	vld [tilespmem:$0xFC0];
	_ =	sdelay $0x4  }
0x151: {  	v4 =	vshll.u32 v3, $0x3  }
0x152: {  	v3 =	vand.u32 $0x7, v3;
	v4 =	vand.u32 $0xFFFFFFC0, v4  }
0x153: {  	v3 =	vor.u32 v3, v4  }
0x154: {  	v4 =	vperm.xlane v3, v0;
	_ =	sdelay $0x1  }
0x155: {  	v4 =	vadd.s32 v1, v4;
	_ =	sdelay $0x4  }
0x156: {  	[tilespmem:s0], [sflag:$0x1] =	stream.indirect_vreg.gather [hbm4b:s2+s3], $0x80, v4, vm0, $0xb8;
	[tilespmem:$0x19000] =	vst v63  }
0x157: {  	v3 =	vperm.xlane v3, v2  }
0x158: {  	[tilespmem:s16], [sflag:$0x1] =	stream.indirect_vreg.gather [hbm4b:s5+s3], $0x80, v4, vm0, $0xb8;
	[tilespmem:$0x19000] =	vst v63  }
0x159: {  	v3 =	vadd.s32 v1, v3  }
0x15a: {  	[tilespmem:s30], [sflag:$0x1] =	stream.indirect_vreg.gather [hbm4b:s6+s3], $0x80, v4, vm0, $0xb8;
	[tilespmem:$0x19000] =	vst v63  }
0x15b: {  	s4 =	simm.s32 $0x2800  }
0x15c: {  	[tilespmem:s4], [sflag:$0x1] =	stream.indirect_vreg.gather [hbm4b:s7+s3], $0x80, v4, vm0, $0xb8;
	[tilespmem:$0x19000] =	vst v63  }
0x15d: {  	s8 =	simm.s32 $0x3000  }
0x15e: {  	[tilespmem:s8], [sflag:$0x1] =	stream.indirect_vreg.gather [hbm4b:s2+s3], $0x80, v3, vm0, $0xb8;
	[tilespmem:$0x19000] =	vst v63  }
0x15f: {  	s14 =	simm.s32 $0x3800  }
0x160: {  	[tilespmem:s14], [sflag:$0x1] =	stream.indirect_vreg.gather [hbm4b:s5+s3], $0x80, v3, vm0, $0xb8;
	[tilespmem:$0x19000] =	vst v63  }
0x161: {  	s29 =	simm.s32 $0x4000  }
0x162: {  	[tilespmem:s29], [sflag:$0x1] =	stream.indirect_vreg.gather [hbm4b:s6+s3], $0x80, v3, vm0, $0xb8;
	[tilespmem:$0x19000] =	vst v63  }
0x163: {  	s4 =	simm.s32 $0x4800  }
0x164: {  	[tilespmem:s4], [sflag:$0x1] =	stream.indirect_vreg.gather [hbm4b:s7+s3], $0x80, v3, vm0, $0xb8;
	[tilespmem:$0x19000] =	vst v63  }
0x165: {  	v3 =	vld [tilespmem:$0xFD0];
	_ =	sdelay $0x4  }
0x166: {  	v61 =	vshll.u32 v3, $0x3  }
0x167: {  	v3 =	vand.u32 $0x7, v3;
	v4 =	vand.u32 $0xFFFFFFC0, v61  }
0x168: {  	v3 =	vor.u32 v3, v4  }
0x169: {  	v4 =	vperm.xlane v3, v0;
	_ =	sdelay $0x1  }
0x16a: {  	v4 =	vadd.s32 v1, v4;
	_ =	sdelay $0x3  }
0x16b: {  	s8 =	simm.s32 $0x5000  }
0x16c: {  	[tilespmem:s8], [sflag:$0x1] =	stream.indirect_vreg.gather [hbm4b:s2+s3], $0x80, v4, vm0, $0xb8;
	[tilespmem:$0x19000] =	vst v63  }
0x16d: {  	s14 =	simm.s32 $0x5800;
	v3 =	vperm.xlane v3, v2  }
0x16e: {  	[tilespmem:s14], [sflag:$0x1] =	stream.indirect_vreg.gather [hbm4b:s5+s3], $0x80, v4, vm0, $0xb8;
	[tilespmem:$0x19000] =	vst v63  }
0x16f: {  	s29 =	simm.s32 $0x6000;
	v3 =	vadd.s32 v1, v3  }
0x170: {  	[tilespmem:s29], [sflag:$0x1] =	stream.indirect_vreg.gather [hbm4b:s6+s3], $0x80, v4, vm0, $0xb8;
	[tilespmem:$0x19000] =	vst v63  }
0x171: {  	s4 =	simm.s32 $0x6800  }
0x172: {  	[tilespmem:s4], [sflag:$0x1] =	stream.indirect_vreg.gather [hbm4b:s7+s3], $0x80, v4, vm0, $0xb8;
	[tilespmem:$0x19000] =	vst v63  }
0x173: {  	s8 =	simm.s32 $0x7000  }
0x174: {  	[tilespmem:s8], [sflag:$0x1] =	stream.indirect_vreg.gather [hbm4b:s2+s3], $0x80, v3, vm0, $0xb8;
	[tilespmem:$0x19000] =	vst v63  }
0x175: {  	s14 =	simm.s32 $0x7800  }
0x176: {  	[tilespmem:s14], [sflag:$0x1] =	stream.indirect_vreg.gather [hbm4b:s5+s3], $0x80, v3, vm0, $0xb8;
	[tilespmem:$0x19000] =	vst v63  }
0x177: {  	s29 =	simm.s32 $0x8000  }
0x178: {  	[tilespmem:s29], [sflag:$0x1] =	stream.indirect_vreg.gather [hbm4b:s6+s3], $0x80, v3, vm0, $0xb8;
	[tilespmem:$0x19000] =	vst v63  }
0x179: {  	s4 =	simm.s32 $0x8800  }
0x17a: {  	[tilespmem:s4], [sflag:$0x1] =	stream.indirect_vreg.gather [hbm4b:s7+s3], $0x80, v3, vm0, $0xb8;
	[tilespmem:$0x19000] =	vst v63  }
0x17b: {  	_ =	swait.ge [sflag:s13], $0x8000  }
0x17c: {  	[sflag:s13] =	ssyncset.done $0x0  }
0x17d: {  	[sflag:s13] =	ssyncadd.s32 $0xFFFF8000  }
0x17e: {  	v3 =	vld [tilespmem:$0xFE0];
	_ =	sdelay $0x4  }
0x17f: {  	v62 =	vshll.u32 v3, $0x3  }
0x180: {  	v3 =	vand.u32 $0x7, v3;
	v4 =	vand.u32 $0xFFFFFFC0, v62  }
0x181: {  	v3 =	vor.u32 v3, v4  }
0x182: {  	v4 =	vperm.xlane v3, v0;
	_ =	sdelay $0x1  }
0x183: {  	v4 =	vadd.s32 v1, v4;
	_ =	sdelay $0x4  }
0x184: {  	[tilespmem:s22], [sflag:$0x2] =	stream.indirect_vreg.gather [hbm4b:s2+s3], $0x80, v4, vm0, $0xb8;
	[tilespmem:$0x19000] =	vst v63  }
0x185: {  	s8 =	simm.s32 $0x9800;
	v3 =	vperm.xlane v3, v2  }
0x186: {  	[tilespmem:s8], [sflag:$0x2] =	stream.indirect_vreg.gather [hbm4b:s5+s3], $0x80, v4, vm0, $0xb8;
	[tilespmem:$0x19000] =	vst v63  }
0x187: {  	s14 =	simm.s32 $0xA000;
	v3 =	vadd.s32 v1, v3  }
0x188: {  	[tilespmem:s14], [sflag:$0x2] =	stream.indirect_vreg.gather [hbm4b:s6+s3], $0x80, v4, vm0, $0xb8;
	[tilespmem:$0x19000] =	vst v63  }
0x189: {  	s29 =	simm.s32 $0xA800  }
0x18a: {  	[tilespmem:s29], [sflag:$0x2] =	stream.indirect_vreg.gather [hbm4b:s7+s3], $0x80, v4, vm0, $0xb8;
	[tilespmem:$0x19000] =	vst v63  }
0x18b: {  	s4 =	simm.s32 $0xB000  }
0x18c: {  	[tilespmem:s4], [sflag:$0x2] =	stream.indirect_vreg.gather [hbm4b:s2+s3], $0x80, v3, vm0, $0xb8;
	[tilespmem:$0x19000] =	vst v63  }
0x18d: {  	s8 =	simm.s32 $0xB800  }
0x18e: {  	[tilespmem:s8], [sflag:$0x2] =	stream.indirect_vreg.gather [hbm4b:s5+s3], $0x80, v3, vm0, $0xb8;
	[tilespmem:$0x19000] =	vst v63  }
0x18f: {  	s14 =	simm.s32 $0xC000  }
0x190: {  	[tilespmem:s14], [sflag:$0x2] =	stream.indirect_vreg.gather [hbm4b:s6+s3], $0x80, v3, vm0, $0xb8;
	[tilespmem:$0x19000] =	vst v63  }
0x191: {  	s29 =	simm.s32 $0xC800  }
0x192: {  	[tilespmem:s29], [sflag:$0x2] =	stream.indirect_vreg.gather [hbm4b:s7+s3], $0x80, v3, vm0, $0xb8;
	[tilespmem:$0x19000] =	vst v63  }
0x193: {  	v3 =	vld [tilespmem:$0xFF0];
	_ =	sdelay $0x4  }
0x194: {  	v63 =	vshll.u32 v3, $0x3  }
0x195: {  	v3 =	vand.u32 $0x7, v3;
	v4 =	vand.u32 $0xFFFFFFC0, v63  }
0x196: {  	v3 =	vor.u32 v3, v4  }
0x197: {  	v4 =	vperm.xlane v3, v0;
	_ =	sdelay $0x1  }
0x198: {  	v4 =	vadd.s32 v1, v4;
	_ =	sdelay $0x3  }
0x199: {  	s4 =	simm.s32 $0xD000  }
0x19a: {  	[tilespmem:s4], [sflag:$0x2] =	stream.indirect_vreg.gather [hbm4b:s2+s3], $0x80, v4, vm0, $0xb8;
	[tilespmem:$0x19000] =	vst v63  }
0x19b: {  	s8 =	simm.s32 $0xD800;
	v3 =	vperm.xlane v3, v2  }
0x19c: {  	[tilespmem:s8], [sflag:$0x2] =	stream.indirect_vreg.gather [hbm4b:s5+s3], $0x80, v4, vm0, $0xb8;
	[tilespmem:$0x19000] =	vst v63  }
0x19d: {  	s14 =	simm.s32 $0xE000;
	v3 =	vadd.s32 v1, v3  }
0x19e: {  	[tilespmem:s14], [sflag:$0x2] =	stream.indirect_vreg.gather [hbm4b:s6+s3], $0x80, v4, vm0, $0xb8;
	[tilespmem:$0x19000] =	vst v63  }
0x19f: {  	s29 =	simm.s32 $0xE800  }
0x1a0: {  	[tilespmem:s29], [sflag:$0x2] =	stream.indirect_vreg.gather [hbm4b:s7+s3], $0x80, v4, vm0, $0xb8;
	[tilespmem:$0x19000] =	vst v63  }
0x1a1: {  	s4 =	simm.s32 $0xF000  }
0x1a2: {  	[tilespmem:s4], [sflag:$0x2] =	stream.indirect_vreg.gather [hbm4b:s2+s3], $0x80, v3, vm0, $0xb8;
	[tilespmem:$0x19000] =	vst v63  }
0x1a3: {  	s8 =	simm.s32 $0xF800  }
0x1a4: {  	[tilespmem:s8], [sflag:$0x2] =	stream.indirect_vreg.gather [hbm4b:s5+s3], $0x80, v3, vm0, $0xb8;
	[tilespmem:$0x19000] =	vst v63  }
0x1a5: {  	s14 =	simm.s32 $0x10000  }
0x1a6: {  	[tilespmem:s14], [sflag:$0x2] =	stream.indirect_vreg.gather [hbm4b:s6+s3], $0x80, v3, vm0, $0xb8;
	[tilespmem:$0x19000] =	vst v63  }
0x1a7: {  	s29 =	simm.s32 $0x10800  }
0x1a8: {  	[tilespmem:s29], [sflag:$0x2] =	stream.indirect_vreg.gather [hbm4b:s7+s3], $0x80, v3, vm0, $0xb8;
	[tilespmem:$0x19000] =	vst v63  }
0x1a9: {  	_ =	swait.ge [sflag:s11], $0x8000  }
0x1aa: {  	[sflag:s11] =	ssyncset.done $0x0  }
0x1ab: {  	s4 =	rddreg [dreg:$0x9];
	[sflag:s11] =	ssyncadd.s32 $0xFFFF8000  }
0x1ac: {  	[hbm4b:s4+s3] =	stream.linear.scatter [tilespmem:s0], [sflag:$0x4], $0x8000, $0x38;
	[tilespmem:$0x19000] =	vst v63  }
0x1ad: {  	_ =	swait.ge [sflag:s25], $0x8000  }
0x1ae: {  	[sflag:s25] =	ssyncset.done $0x0  }
0x1af: {  	s8 =	rddreg [dreg:$0xa];
	[sflag:s25] =	ssyncadd.s32 $0xFFFF8000  }
0x1b0: {  	[hbm4b:s8+s3] =	stream.linear.scatter [tilespmem:s22], [sflag:$0x5], $0x8000, $0x38;
	[tilespmem:$0x19000] =	vst v63  }
0x1b1: {  	_ =	swait.ge [sflag:s28], $0x8000  }
0x1b2: {  	[sflag:s28] =	ssyncset.done $0x0  }
0x1b3: {  	[sflag:s28] =	ssyncadd.s32 $0xFFFF8000  }
0x1b4: {  	_ =	swait.ge [sflag:s26], $0x8000  }
0x1b5: {  	[sflag:s26] =	ssyncset.done $0x0  }
0x1b6: {  	[sflag:s26] =	ssyncadd.s32 $0xFFFF8000  }
0x1b7: {  	_ =	swait.ge [sflag:s13], $0x8000  }
0x1b8: {  	s8 =	rddreg [dreg:$0xc]  }
0x1b9: {  	s29 =	rddreg [dreg:$0xb];
	s8 =	sadd.s32 $0x1, s8  }
0x1ba: {  	p0 =	sne.s32 s8, s29  }
.Ltmp2:
0x1bb: {  	_ = 	snop;
	(pc) =	sbr.rel @p0 .LBB2_1-.Ltmp2, $3  }
0x1bc: {  	_ =	sdelay $0x1  }
0x1bd: {  	s1 =	simm.s32 $0x9000;
	[sflag:s13] =	ssyncset.done $0x0  }
0x1be: {  	s0 =	simm.s32 $0x1000;
	s4 =	simm.s32 $0x11000;
	[sflag:s13] =	ssyncadd.s32 $0xFFFF8000  }
0x1bf: {  	_ =	sfence.sel $0x180000  }
0x1c0: {  	[bflag:$0x0] =	sbarrier.arrive $0xFFFF  }
0x1c1: {  	_ =	strace $0x90000047  }
0x1c2: {  	s0 =	stileid.u32;
	[bflag:$0x2] =	sbarrier.arrive $0xFFFF  }
0x1c3: {  	p0 =	sne.s32 s0, $0x0;
	s0 =	rddreg [dreg:$0x3]  }
0x1c4: {  	s0 =	sadd.s32 @!p0 $0x100000, s0  }
0x1c5: {  	[sflag:s0] =	ssyncadd.tile.s32 @!p0 $0x1;
	_ =	shalt  }
.Lfunc_end2:
_tile_overlayer_lowered:
.L_overlay_start_2:
0x1c6: {  	(tag) =	ssettag $0x2  }
0x1c7: {  	s0 =	rddreg [dreg:$0x0];
	s2 =	stileid.u32  }
0x1c8: {  	s1 =	rddreg [dreg:$0x1];
	p0 =	sne.s32 s2, $0x0  }
0x1c9: {  	s3 =	rddreg [dreg:$0x2];
	[bflag:$0x3] =	sbarrier.arrive $0xFFFF;
	s2 =	simm.s32 @!p0 $0x1C07  }
0x1ca: {  	[timem:s3], [sflag:s2] =	dma.local @!p0 [hbm:s0], s1  }
0x1cb: {  	s0 =	simm.s32 @!p0 $0x7  }
0x1cc: {  	_ =	swait.ge @!p0 [sflag:s0], s1  }
0x1cd: {  	s1 =	ssub.s32 @!p0 $0x0, s1;
	[sflag:s0] =	ssyncset.done @!p0 $0x0  }
0x1ce: {  	[sflag:s0] =	ssyncadd.s32 @!p0 s1  }
0x1cf: {  	[bflag:$0x3] =	sbarrier.arrive $0xFFFF  }
0x1d0: {  	_ =	shalt  }

</sc_bundles>
